<compile_context>
chip_gen: v7x
topology: tpu7x:2x2x1
jax: 0.10.2.dev20260603
libtpu: 0.0.44.dev20260713+nightly
codegen_flags: <defaults>
</compile_context>

<pallas_src>
import functools

import jax
import jax.numpy as jnp
from jax import lax
from jax.experimental import pallas as pl
from jax.experimental.pallas import tpu as pltpu
from jax.experimental.pallas import tpu_sc as plsc

N = 10000
E = 160000
D = 128
G = 3 * D
NC, NS, L = 2, 16, 16
NW = NC * NS
K = 128
NCHUNK = E // K
TSTEPS = (NCHUNK + NW - 1) // NW
NP = 10240
RPS = NP // NS

KC = 125
CPW = E // NW // KC
EPW = E // NW


@functools.lru_cache(maxsize=None)
def _make_sc_agg(mode):
  mesh = plsc.VectorSubcoreMesh(
      core_axis_name="c", subcore_axis_name="s", num_cores=NC, num_subcores=NS)
  out_type = [jax.ShapeDtypeStruct((NC, NP, D), jnp.float32)]
  scratch = [
      pltpu.VMEM((CPW, KC), jnp.int32),
      pltpu.VMEM((CPW, KC), jnp.int32),
      pltpu.SemaphoreType.DMA, pltpu.SemaphoreType.DMA,
      pltpu.VMEM_SHARED((NP, D), jnp.float32),
  ]
  params = None
  if mode == "sum_deg":
    out_type.append(jax.ShapeDtypeStruct((NW, NP), jnp.float32))
    params = pltpu.CompilerParams(needs_layout_passes=False)

  @functools.partial(pl.kernel, out_type=tuple(out_type), mesh=mesh,
                     scratch_types=scratch, compiler_params=params)
  def sc_agg(*args):
    if mode == "sum_deg":
      (a_hbm, src2_hbm, dst2_hbm, dst1_hbm, z_hbm, s_out, deg_out,
       sidx, didx, sem0, sem1, s_sh) = args
    else:
      (a_hbm, src2_hbm, dst2_hbm, dst1_hbm, z_hbm, s_out,
       sidx, didx, sem0, sem1, s_sh) = args
    sem_b = (sem0, sem1)
    cid = lax.axis_index("c")
    sid = lax.axis_index("s")
    wid = cid * NS + sid
    base = sid * RPS

    pltpu.sync_copy(src2_hbm.at[wid], sidx)
    pltpu.sync_copy(dst2_hbm.at[wid], didx)
    for j in range(RPS // K):
      pltpu.sync_copy(z_hbm, s_sh.at[pl.ds(base + j * K, K)])
    if mode == "sum_deg":
      ones16 = jnp.ones((L,), jnp.float32)
      nfull = KC // L
      tail = KC - nfull * L
      tmask = lax.iota(jnp.int32, L) >= (L - tail)

      def hist_phase(hist_v):
        def zhist(i, _):
          hist_v[pl.ds(i * L, L)] = jnp.zeros((L,), jnp.float32)
          return 0
        lax.fori_loop(0, NP // L, zhist, 0)

        def hstep(t, _):
          for j in range(nfull):
            plsc.addupdate_scatter(hist_v, [didx[t, pl.ds(j * L, L)]], ones16)
          idx = jnp.where(tmask, didx[t, pl.ds(KC - L, L)], 0)
          plsc.addupdate_scatter(hist_v, [idx], ones16, mask=tmask)
          return 0
        lax.fori_loop(0, CPW, hstep, 0)
        pltpu.sync_copy(hist_v, deg_out.at[wid])
      pl.run_scoped(hist_phase, pltpu.VMEM((NP,), jnp.float32))
    plsc.subcore_barrier()

    def pipe_phase(rows_v0, rows_v1):
      rows_b = (rows_v0, rows_v1)

      def issue(t, b):
        pltpu.async_copy(a_hbm.at[sidx.at[t]], rows_b[b], sem_b[b])

      def drain(t, b):
        pltpu.make_async_copy(a_hbm.at[sidx.at[t]], rows_b[b], sem_b[b]).wait()
        pltpu.sync_copy(rows_b[b], s_sh.at[didx.at[t]], add=True)

      issue(0, 0)

      def pair(p, _):
        t0 = 2 * p
        issue(t0 + 1, 1)
        drain(t0, 0)

        @pl.when(t0 + 2 < CPW)
        def _():
          issue(t0 + 2, 0)
        drain(t0 + 1, 1)
        return 0
      lax.fori_loop(0, CPW // 2, pair, 0)
    pl.run_scoped(pipe_phase, pltpu.VMEM((KC, D), jnp.float32),
                  pltpu.VMEM((KC, D), jnp.float32))

    plsc.subcore_barrier()
    pltpu.sync_copy(s_sh.at[pl.ds(base, RPS)], s_out.at[cid, pl.ds(base, RPS)])

  return sc_agg



R = 2048
_f32 = jnp.float32


def _dot(a, b):
  return jnp.dot(a, b, preferred_element_type=_f32)


def _prep_body(x_ref, h_ref, w1, w2, w3, w4, bm, a_ref, b_ref):
  x = x_ref[...]
  h = h_ref[...]
  a_ref[...] = _dot(x, w1[...]) + _dot(h, w2[...])
  b_ref[...] = _dot(x, w3[...]) + _dot(h, w4[...]) + bm[...]


def _row_spec(shape):
  nd = len(shape)
  return pl.BlockSpec(shape, lambda i: (i,) + (0,) * (nd - 1))


def _full_spec(shape):
  nd = len(shape)
  return pl.BlockSpec(shape, lambda i: (0,) * nd)


def _prep(x, h, w1, w2, w3, w4, bm):
  return pl.pallas_call(
      _prep_body,
      grid=(pl.cdiv(N, R),),
      in_specs=[_row_spec((R, D)), _row_spec((R, D))] +
               [_full_spec((D, D))] * 4 + [_full_spec((1, D))],
      out_specs=[_row_spec((R, D)), _row_spec((R, D))],
      out_shape=[jax.ShapeDtypeStruct((N, D), _f32)] * 2,
  )(x, h, w1, w2, w3, w4, bm)


def _gru_math(x, h, s2, d16, b, wih, whh, bih, bhh):
  s = s2[0] + s2[1]
  deg = lax.dot_general(d16, jnp.ones((NW, 1), _f32),
                        (((0,), (0,)), ((), ())),
                        preferred_element_type=_f32)
  denom = jnp.maximum(deg, 1.0)
  mask = (deg > 0.0).astype(_f32)
  c = s / denom + mask * b
  gi = _dot(x, wih[0:D]) + _dot(c, wih[D:2 * D]) + bih
  gh = _dot(h, whh) + bhh
  r = jax.nn.sigmoid(gi[:, 0:D] + gh[:, 0:D])
  z = jax.nn.sigmoid(gi[:, D:2 * D] + gh[:, D:2 * D])
  n = jnp.tanh(gi[:, 2 * D:G] + r * gh[:, 2 * D:G])
  return (1.0 - z) * n + z * h


def _gru_next_body(x_ref, h_ref, s2_ref, d16_ref, b_ref, wih, whh, bih, bhh,
                   w1, w2, w3, w4, bm, hn_ref, an_ref, bn_ref):
  x = x_ref[...]
  hn = _gru_math(x, h_ref[...], s2_ref[...], d16_ref[...], b_ref[...],
                 wih[...], whh[...], bih[...], bhh[...])
  hn_ref[...] = hn
  an_ref[...] = _dot(x, w1[...]) + _dot(hn, w2[...])
  bn_ref[...] = _dot(x, w3[...]) + _dot(hn, w4[...]) + bm[...]


def _gru_last_body(x_ref, h_ref, s2_ref, d16_ref, b_ref, wih, whh, bih, bhh,
                   hn_ref):
  hn_ref[...] = _gru_math(x_ref[...], h_ref[...], s2_ref[...], d16_ref[...],
                          b_ref[...], wih[...], whh[...], bih[...], bhh[...])


def _gru_common_specs():
  return [
      _row_spec((R, D)), _row_spec((R, D)),
      pl.BlockSpec((NC, R, D), lambda i: (0, i, 0)),
      pl.BlockSpec((NW, R), lambda i: (0, i)),
      _row_spec((R, D)),
      _full_spec((2 * D, G)), _full_spec((D, G)),
      _full_spec((1, G)), _full_spec((1, G)),
  ]


def _gru_next(x, h, s2, d16, b, wih, whh, bih, bhh, w1, w2, w3, w4, bm):
  return pl.pallas_call(
      _gru_next_body,
      grid=(pl.cdiv(N, R),),
      in_specs=_gru_common_specs() + [_full_spec((D, D))] * 4 +
               [_full_spec((1, D))],
      out_specs=[_row_spec((R, D))] * 3,
      out_shape=[jax.ShapeDtypeStruct((N, D), _f32)] * 3,
  )(x, h, s2, d16, b, wih, whh, bih, bhh, w1, w2, w3, w4, bm)


def _gru_last(x, h, s2, d16, b, wih, whh, bih, bhh):
  return pl.pallas_call(
      _gru_last_body,
      grid=(pl.cdiv(N, R),),
      in_specs=_gru_common_specs(),
      out_specs=_row_spec((R, D)),
      out_shape=jax.ShapeDtypeStruct((N, D), _f32),
  )(x, h, s2, d16, b, wih, whh, bih, bhh)


def kernel(x, h, edge_index, W_msg, b_msg, W_ih, W_hh, b_ih, b_hh):
  src = edge_index[0].astype(jnp.int32)
  dst = edge_index[1].astype(jnp.int32)
  wt = W_msg.T
  w1, w2, w3, w4 = wt[0:D], wt[D:2 * D], wt[2 * D:3 * D], wt[3 * D:4 * D]
  bm = b_msg.reshape(1, D)
  wih = W_ih.T
  whh = W_hh.T
  bih = b_ih.reshape(1, G)
  bhh = b_hh.reshape(1, G)

  a1, b1 = _prep(x, h, w1, w2, w3, w4, bm)
  src2 = src.reshape(NW, CPW, KC)
  dst2 = dst.reshape(NW, CPW, KC)
  zblk = jnp.zeros((K, D), _f32)
  s2, d16 = _make_sc_agg("sum_deg")(a1, src2, dst2, dst, zblk)
  h1, a2, b2 = _gru_next(x, h, s2, d16, b1, wih, whh, bih, bhh,
                         w1, w2, w3, w4, bm)
  s2b, = _make_sc_agg("sum")(a2, src2, dst2, dst, zblk)
  h2 = _gru_last(x, h1, s2b, d16, b2, wih, whh, bih, bhh)
  return h2

# --- scband reference (transcript-rebuilt; emitter-appended) ---
"""Pipeline reference for scband-edge-conv-29214367547984 (READ-ONLY COPY).

The authoritative reference and input builder live on the scoring server;
editing this copy changes nothing except your own understanding.
"""

import jax, jax.numpy as jnp
import numpy as np

N_NODES = 10000
N_EDGES = 160000
HIDDEN = 128
MSG = 128
N_ROUNDS = 2

def setup_inputs(seed: int = 0) -> dict:
    key = jax.random.key(seed)
    ks = jax.random.split(key, 10)
    x = jax.random.normal(ks[0], (N_NODES, HIDDEN), dtype=jnp.float32)
    h = jax.random.normal(ks[1], (N_NODES, HIDDEN), dtype=jnp.float32)
    edge_index = jax.random.randint(ks[2], (2, N_EDGES), 0, N_NODES, dtype=jnp.int64)
    # f_msg: Linear(4*hidden -> msg)
    W_msg = jax.random.normal(ks[3], (MSG, 4 * HIDDEN), dtype=jnp.float32) * 0.02
    b_msg = jnp.zeros((MSG,), dtype=jnp.float32)
    # f_udt: GRUCell(input = hidden + msg, hidden = hidden)
    in_dim = HIDDEN + MSG
    W_ih = jax.random.normal(ks[4], (3 * HIDDEN, in_dim), dtype=jnp.float32) * 0.02
    W_hh = jax.random.normal(ks[5], (3 * HIDDEN, HIDDEN), dtype=jnp.float32) * 0.02
    b_ih = jnp.zeros((3 * HIDDEN,), dtype=jnp.float32)
    b_hh = jnp.zeros((3 * HIDDEN,), dtype=jnp.float32)
    return {"x": x, "h": h, "edge_index": edge_index, "W_msg": W_msg, "b_msg": b_msg,
            "W_ih": W_ih, "W_hh": W_hh, "b_ih": b_ih, "b_hh": b_hh}

def _gru_cell(inp, hh, W_ih, W_hh, b_ih, b_hh):
    gi = inp @ W_ih.T + b_ih
    gh = hh @ W_hh.T + b_hh
    i_r, i_z, i_n = jnp.split(gi, 3, axis=1)
    h_r, h_z, h_n = jnp.split(gh, 3, axis=1)
    r = jax.nn.sigmoid(i_r + h_r)
    z = jax.nn.sigmoid(i_z + h_z)
    n = jnp.tanh(i_n + r * h_n)
    return (1.0 - z) * n + z * hh

def reference(x, h, edge_index, W_msg, b_msg, W_ih, W_hh, b_ih, b_hh):
    src = edge_index[0]
    dst = edge_index[1]
    deg = jax.ops.segment_sum(jnp.ones((src.shape[0],), dtype=jnp.float32), dst, num_segments=N_NODES)
    denom = jnp.maximum(deg, 1.0)[:, None]
    for _ in range(N_ROUNDS):
        hd = jax.lax.stop_gradient(h)  # h.detach() before message passing
        feat = jnp.concatenate([x[src], hd[src], x[dst], hd[dst]], axis=1)
        msg = feat @ W_msg.T + b_msg
        c = jax.ops.segment_sum(msg, dst, num_segments=N_NODES) / denom  # mean over mailbox
        h = _gru_cell(jnp.concatenate([x, c], axis=1), h, W_ih, W_hh, b_ih, b_hh)
    return h

if __name__ == "__main__":
    import jax
    _d = setup_inputs()
    print(jax.jit(kernel)(*tuple(_d.values())))

</pallas_src>

<mosaic_0001>
#map = affine_map<(d0, d1) -> (0, 0)>
#map1 = affine_map<(d0, d1) -> (0, 0, 0)>
#map2 = affine_map<(d0, d1) -> (0)>
module attributes {stable_mosaic.version = 14 : i64} {
  func.func @sc_agg(%arg0: i32, %arg1: i32, %arg2: memref<10000x128xf32, #tpu.memory_space<hbm>>, %arg3: memref<32x40x125xi32, #tpu.memory_space<hbm>>, %arg4: memref<32x40x125xi32, #tpu.memory_space<hbm>>, %arg5: memref<160000xi32, #tpu.memory_space<hbm>>, %arg6: memref<128x128xf32, #tpu.memory_space<hbm>>, %arg7: memref<2x10240x128xf32, #tpu.memory_space<hbm>>, %arg8: memref<32x10240xf32, #tpu.memory_space<hbm>>, %arg9: memref<40x125xi32, #tpu.memory_space<vmem>>, %arg10: memref<40x125xi32, #tpu.memory_space<vmem>>, %arg11: memref<!tpu.dma_semaphore, #tpu.memory_space<semaphore_mem>>, %arg12: memref<!tpu.dma_semaphore, #tpu.memory_space<semaphore_mem>>, %arg13: memref<10240x128xf32, #tpu.memory_space<vmem_shared>>) attributes {dimension_semantics = [#tpu.dimension_semantics<core_parallel>, #tpu.dimension_semantics<subcore_parallel>], iteration_bounds = array<i64: 2, 16>, scalar_prefetch = 0 : i64, scratch_operands = 5 : i64, tpu.core_type = #tpu.core_type<sc_vector_subcore>, window_params = [{transform_indices = #map}, {transform_indices = #map1}, {transform_indices = #map1}, {transform_indices = #map2}, {transform_indices = #map}, {transform_indices = #map1}, {transform_indices = #map}]} {
    %mul3A = arith.constant 16 : i32
    %mul3A_0 = arith.muli %arg0, %mul3A : i32
    %add3A = arith.addi %mul3A_0, %arg1 : i32
    %mul3A_1 = arith.constant 640 : i32
    %mul3A_2 = arith.muli %arg1, %mul3A_1 : i32
    "tpu.region"() ({
      %run_scoped3A = tpu.sem_alloc : memref<!tpu.dma_semaphore, #tpu.memory_space<semaphore_mem>>
      %dma_start3A = arith.constant 0 : i32
      %dma_start3A_17 = arith.constant 0 : i32
      %dma_start3A_18 = tpu.memref_slice %arg3[%add3A, %dma_start3A, %dma_start3A_17] : memref<32x40x125xi32, #tpu.memory_space<hbm>> -> memref<1x40x125xi32, #tpu.memory_space<hbm>>
      %dma_start3A_19 = tpu.memref_squeeze %dma_start3A_18 : memref<1x40x125xi32, #tpu.memory_space<hbm>> -> memref<40x125xi32, #tpu.memory_space<hbm>>
      %dma_start3A_20 = arith.constant 0 : i32
      %dma_start3A_21 = arith.constant 0 : i32
      %dma_start3A_22 = tpu.memref_slice %arg3[%add3A, %dma_start3A_20, %dma_start3A_21] : memref<32x40x125xi32, #tpu.memory_space<hbm>> -> memref<1x40x125xi32, #tpu.memory_space<hbm>>
      %dma_start3A_23 = tpu.memref_squeeze %dma_start3A_22 : memref<1x40x125xi32, #tpu.memory_space<hbm>> -> memref<40x125xi32, #tpu.memory_space<hbm>>
      tpu.enqueue_dma source(%dma_start3A_23 : memref<40x125xi32, #tpu.memory_space<hbm>>) target(%arg9 : memref<40x125xi32, #tpu.memory_space<vmem>>) target_semaphore(%run_scoped3A : memref<!tpu.dma_semaphore, #tpu.memory_space<semaphore_mem>>)
      %dma_wait3A = arith.constant 0 : i32
      %dma_wait3A_24 = arith.constant 0 : i32
      %dma_wait3A_25 = tpu.memref_slice %arg3[%add3A, %dma_wait3A, %dma_wait3A_24] : memref<32x40x125xi32, #tpu.memory_space<hbm>> -> memref<1x40x125xi32, #tpu.memory_space<hbm>>
      %dma_wait3A_26 = tpu.memref_squeeze %dma_wait3A_25 : memref<1x40x125xi32, #tpu.memory_space<hbm>> -> memref<40x125xi32, #tpu.memory_space<hbm>>
      %dma_wait3A_27 = arith.constant 0 : i32
      %dma_wait3A_28 = arith.constant 0 : i32
      %dma_wait3A_29 = tpu.memref_slice %arg3[%add3A, %dma_wait3A_27, %dma_wait3A_28] : memref<32x40x125xi32, #tpu.memory_space<hbm>> -> memref<1x40x125xi32, #tpu.memory_space<hbm>>
      %dma_wait3A_30 = tpu.memref_squeeze %dma_wait3A_29 : memref<1x40x125xi32, #tpu.memory_space<hbm>> -> memref<40x125xi32, #tpu.memory_space<hbm>>
      tpu.wait_dma2 semaphore(%run_scoped3A : memref<!tpu.dma_semaphore, #tpu.memory_space<semaphore_mem>>) src(%dma_wait3A_30 : memref<40x125xi32, #tpu.memory_space<hbm>>) dst(%arg9 : memref<40x125xi32, #tpu.memory_space<vmem>>)
      tpu.yield
    }) : () -> ()
    "tpu.region"() ({
      %run_scoped3A = tpu.sem_alloc : memref<!tpu.dma_semaphore, #tpu.memory_space<semaphore_mem>>
      %dma_start3A = arith.constant 0 : i32
      %dma_start3A_17 = arith.constant 0 : i32
      %dma_start3A_18 = tpu.memref_slice %arg4[%add3A, %dma_start3A, %dma_start3A_17] : memref<32x40x125xi32, #tpu.memory_space<hbm>> -> memref<1x40x125xi32, #tpu.memory_space<hbm>>
      %dma_start3A_19 = tpu.memref_squeeze %dma_start3A_18 : memref<1x40x125xi32, #tpu.memory_space<hbm>> -> memref<40x125xi32, #tpu.memory_space<hbm>>
      %dma_start3A_20 = arith.constant 0 : i32
      %dma_start3A_21 = arith.constant 0 : i32
      %dma_start3A_22 = tpu.memref_slice %arg4[%add3A, %dma_start3A_20, %dma_start3A_21] : memref<32x40x125xi32, #tpu.memory_space<hbm>> -> memref<1x40x125xi32, #tpu.memory_space<hbm>>
      %dma_start3A_23 = tpu.memref_squeeze %dma_start3A_22 : memref<1x40x125xi32, #tpu.memory_space<hbm>> -> memref<40x125xi32, #tpu.memory_space<hbm>>
      tpu.enqueue_dma source(%dma_start3A_23 : memref<40x125xi32, #tpu.memory_space<hbm>>) target(%arg10 : memref<40x125xi32, #tpu.memory_space<vmem>>) target_semaphore(%run_scoped3A : memref<!tpu.dma_semaphore, #tpu.memory_space<semaphore_mem>>)
      %dma_wait3A = arith.constant 0 : i32
      %dma_wait3A_24 = arith.constant 0 : i32
      %dma_wait3A_25 = tpu.memref_slice %arg4[%add3A, %dma_wait3A, %dma_wait3A_24] : memref<32x40x125xi32, #tpu.memory_space<hbm>> -> memref<1x40x125xi32, #tpu.memory_space<hbm>>
      %dma_wait3A_26 = tpu.memref_squeeze %dma_wait3A_25 : memref<1x40x125xi32, #tpu.memory_space<hbm>> -> memref<40x125xi32, #tpu.memory_space<hbm>>
      %dma_wait3A_27 = arith.constant 0 : i32
      %dma_wait3A_28 = arith.constant 0 : i32
      %dma_wait3A_29 = tpu.memref_slice %arg4[%add3A, %dma_wait3A_27, %dma_wait3A_28] : memref<32x40x125xi32, #tpu.memory_space<hbm>> -> memref<1x40x125xi32, #tpu.memory_space<hbm>>
      %dma_wait3A_30 = tpu.memref_squeeze %dma_wait3A_29 : memref<1x40x125xi32, #tpu.memory_space<hbm>> -> memref<40x125xi32, #tpu.memory_space<hbm>>
      tpu.wait_dma2 semaphore(%run_scoped3A : memref<!tpu.dma_semaphore, #tpu.memory_space<semaphore_mem>>) src(%dma_wait3A_30 : memref<40x125xi32, #tpu.memory_space<hbm>>) dst(%arg10 : memref<40x125xi32, #tpu.memory_space<vmem>>)
      tpu.yield
    }) : () -> ()
    %add3A_3 = arith.constant 0 : i32
    %add3A_4 = arith.addi %mul3A_2, %add3A_3 : i32
    "tpu.region"() ({
      %run_scoped3A = tpu.sem_alloc : memref<!tpu.dma_semaphore, #tpu.memory_space<semaphore_mem>>
      %dma_start3A = arith.constant 0 : i32
      %dma_start3A_17 = tpu.memref_slice %arg13[%add3A_4, %dma_start3A] : memref<10240x128xf32, #tpu.memory_space<vmem_shared>> -> memref<128x128xf32, #tpu.memory_space<vmem_shared>>
      tpu.enqueue_dma source(%arg6 : memref<128x128xf32, #tpu.memory_space<hbm>>) target(%dma_start3A_17 : memref<128x128xf32, #tpu.memory_space<vmem_shared>>) target_semaphore(%run_scoped3A : memref<!tpu.dma_semaphore, #tpu.memory_space<semaphore_mem>>)
      %dma_wait3A = arith.constant 0 : i32
      %dma_wait3A_18 = tpu.memref_slice %arg13[%add3A_4, %dma_wait3A] : memref<10240x128xf32, #tpu.memory_space<vmem_shared>> -> memref<128x128xf32, #tpu.memory_space<vmem_shared>>
      tpu.wait_dma2 semaphore(%run_scoped3A : memref<!tpu.dma_semaphore, #tpu.memory_space<semaphore_mem>>) src(%arg6 : memref<128x128xf32, #tpu.memory_space<hbm>>) dst(%dma_wait3A_18 : memref<128x128xf32, #tpu.memory_space<vmem_shared>>)
      tpu.yield
    }) : () -> ()
    %add3A_5 = arith.constant 128 : i32
    %add3A_6 = arith.addi %mul3A_2, %add3A_5 : i32
    "tpu.region"() ({
      %run_scoped3A = tpu.sem_alloc : memref<!tpu.dma_semaphore, #tpu.memory_space<semaphore_mem>>
      %dma_start3A = arith.constant 0 : i32
      %dma_start3A_17 = tpu.memref_slice %arg13[%add3A_6, %dma_start3A] : memref<10240x128xf32, #tpu.memory_space<vmem_shared>> -> memref<128x128xf32, #tpu.memory_space<vmem_shared>>
      tpu.enqueue_dma source(%arg6 : memref<128x128xf32, #tpu.memory_space<hbm>>) target(%dma_start3A_17 : memref<128x128xf32, #tpu.memory_space<vmem_shared>>) target_semaphore(%run_scoped3A : memref<!tpu.dma_semaphore, #tpu.memory_space<semaphore_mem>>)
      %dma_wait3A = arith.constant 0 : i32
      %dma_wait3A_18 = tpu.memref_slice %arg13[%add3A_6, %dma_wait3A] : memref<10240x128xf32, #tpu.memory_space<vmem_shared>> -> memref<128x128xf32, #tpu.memory_space<vmem_shared>>
      tpu.wait_dma2 semaphore(%run_scoped3A : memref<!tpu.dma_semaphore, #tpu.memory_space<semaphore_mem>>) src(%arg6 : memref<128x128xf32, #tpu.memory_space<hbm>>) dst(%dma_wait3A_18 : memref<128x128xf32, #tpu.memory_space<vmem_shared>>)
      tpu.yield
    }) : () -> ()
    %add3A_7 = arith.constant 256 : i32
    %add3A_8 = arith.addi %mul3A_2, %add3A_7 : i32
    "tpu.region"() ({
      %run_scoped3A = tpu.sem_alloc : memref<!tpu.dma_semaphore, #tpu.memory_space<semaphore_mem>>
      %dma_start3A = arith.constant 0 : i32
      %dma_start3A_17 = tpu.memref_slice %arg13[%add3A_8, %dma_start3A] : memref<10240x128xf32, #tpu.memory_space<vmem_shared>> -> memref<128x128xf32, #tpu.memory_space<vmem_shared>>
      tpu.enqueue_dma source(%arg6 : memref<128x128xf32, #tpu.memory_space<hbm>>) target(%dma_start3A_17 : memref<128x128xf32, #tpu.memory_space<vmem_shared>>) target_semaphore(%run_scoped3A : memref<!tpu.dma_semaphore, #tpu.memory_space<semaphore_mem>>)
      %dma_wait3A = arith.constant 0 : i32
      %dma_wait3A_18 = tpu.memref_slice %arg13[%add3A_8, %dma_wait3A] : memref<10240x128xf32, #tpu.memory_space<vmem_shared>> -> memref<128x128xf32, #tpu.memory_space<vmem_shared>>
      tpu.wait_dma2 semaphore(%run_scoped3A : memref<!tpu.dma_semaphore, #tpu.memory_space<semaphore_mem>>) src(%arg6 : memref<128x128xf32, #tpu.memory_space<hbm>>) dst(%dma_wait3A_18 : memref<128x128xf32, #tpu.memory_space<vmem_shared>>)
      tpu.yield
    }) : () -> ()
    %add3A_9 = arith.constant 384 : i32
    %add3A_10 = arith.addi %mul3A_2, %add3A_9 : i32
    "tpu.region"() ({
      %run_scoped3A = tpu.sem_alloc : memref<!tpu.dma_semaphore, #tpu.memory_space<semaphore_mem>>
      %dma_start3A = arith.constant 0 : i32
      %dma_start3A_17 = tpu.memref_slice %arg13[%add3A_10, %dma_start3A] : memref<10240x128xf32, #tpu.memory_space<vmem_shared>> -> memref<128x128xf32, #tpu.memory_space<vmem_shared>>
      tpu.enqueue_dma source(%arg6 : memref<128x128xf32, #tpu.memory_space<hbm>>) target(%dma_start3A_17 : memref<128x128xf32, #tpu.memory_space<vmem_shared>>) target_semaphore(%run_scoped3A : memref<!tpu.dma_semaphore, #tpu.memory_space<semaphore_mem>>)
      %dma_wait3A = arith.constant 0 : i32
      %dma_wait3A_18 = tpu.memref_slice %arg13[%add3A_10, %dma_wait3A] : memref<10240x128xf32, #tpu.memory_space<vmem_shared>> -> memref<128x128xf32, #tpu.memory_space<vmem_shared>>
      tpu.wait_dma2 semaphore(%run_scoped3A : memref<!tpu.dma_semaphore, #tpu.memory_space<semaphore_mem>>) src(%arg6 : memref<128x128xf32, #tpu.memory_space<hbm>>) dst(%dma_wait3A_18 : memref<128x128xf32, #tpu.memory_space<vmem_shared>>)
      tpu.yield
    }) : () -> ()
    %add3A_11 = arith.constant 512 : i32
    %add3A_12 = arith.addi %mul3A_2, %add3A_11 : i32
    "tpu.region"() ({
      %run_scoped3A = tpu.sem_alloc : memref<!tpu.dma_semaphore, #tpu.memory_space<semaphore_mem>>
      %dma_start3A = arith.constant 0 : i32
      %dma_start3A_17 = tpu.memref_slice %arg13[%add3A_12, %dma_start3A] : memref<10240x128xf32, #tpu.memory_space<vmem_shared>> -> memref<128x128xf32, #tpu.memory_space<vmem_shared>>
      tpu.enqueue_dma source(%arg6 : memref<128x128xf32, #tpu.memory_space<hbm>>) target(%dma_start3A_17 : memref<128x128xf32, #tpu.memory_space<vmem_shared>>) target_semaphore(%run_scoped3A : memref<!tpu.dma_semaphore, #tpu.memory_space<semaphore_mem>>)
      %dma_wait3A = arith.constant 0 : i32
      %dma_wait3A_18 = tpu.memref_slice %arg13[%add3A_12, %dma_wait3A] : memref<10240x128xf32, #tpu.memory_space<vmem_shared>> -> memref<128x128xf32, #tpu.memory_space<vmem_shared>>
      tpu.wait_dma2 semaphore(%run_scoped3A : memref<!tpu.dma_semaphore, #tpu.memory_space<semaphore_mem>>) src(%arg6 : memref<128x128xf32, #tpu.memory_space<hbm>>) dst(%dma_wait3A_18 : memref<128x128xf32, #tpu.memory_space<vmem_shared>>)
      tpu.yield
    }) : () -> ()
    %broadcast_in_dim3A = arith.constant 1.000000e+00 : f32
    %broadcast_in_dim3A_13 = vector.broadcast %broadcast_in_dim3A : f32 to vector<16xf32>
    %iota3A = tpu.iota {dimensions = array<i32: 0>} : vector<16xi32>
    %ge3A = arith.constant 3 : i32
    %ge3A_14 = vector.broadcast %ge3A : i32 to vector<16xi32>
    %ge3A_15 = arith.cmpi sge, %iota3A, %ge3A_14 : vector<16xi32>
    "tpu.region"() ({
      %run_scoped3A = memref.alloca() : memref<10240xf32, #tpu.memory_space<vmem>>
      %scan3A = arith.constant 0 : i32
      %scan3A_17 = arith.constant 0 : i32
      %scan3A_18 = arith.constant 640 : i32
      %scan3A_19 = arith.addi %scan3A_17, %scan3A_18 : i32
      %scan3A_20 = arith.constant 1 : i32
      %scan3A_21 = scf.for %scan3A_30 = %scan3A_17 to %scan3A_19 step %scan3A_20 iter_args(%scan3A_31 = %scan3A) -> (i32)  : i32 {
        %broadcast_in_dim3A_32 = arith.constant 0.000000e+00 : f32
        %broadcast_in_dim3A_33 = vector.broadcast %broadcast_in_dim3A_32 : f32 to vector<16xf32>
        %mul3A_34 = arith.constant 16 : i32
        %mul3A_35 = arith.muli %scan3A_30, %mul3A_34 : i32
        %swap3A = arith.index_cast %mul3A_35 : i32 to index
        %swap3A_36 = tpu.vector_load %run_scoped3A[%swap3A] {strides = array<i32>} : memref<10240xf32, #tpu.memory_space<vmem>>, vector<16xf32>,
        tpu.vector_store %run_scoped3A[%swap3A], %broadcast_in_dim3A_33 {strides = array<i32>} : memref<10240xf32, #tpu.memory_space<vmem>>, vector<16xf32>,
        %scan3A_37 = arith.constant 0 : i32
        scf.yield %scan3A_37 : i32
      }
      %scan3A_22 = arith.constant 640 : i32
      %scan3A_23 = arith.constant 0 : i32
      %scan3A_24 = arith.constant 0 : i32
      %scan3A_25 = arith.constant 40 : i32
      %scan3A_26 = arith.addi %scan3A_24, %scan3A_25 : i32
      %scan3A_27 = arith.constant 1 : i32
      %scan3A_28 = scf.for %scan3A_30 = %scan3A_24 to %scan3A_26 step %scan3A_27 iter_args(%scan3A_31 = %scan3A_23) -> (i32)  : i32 {
        %get3A = arith.index_cast %scan3A_30 : i32 to index
        %get3A_32 = arith.constant 0 : index
        %get3A_33 = tpu.vector_load %arg10[%get3A, %get3A_32] {strides = array<i32>} : memref<40x125xi32, #tpu.memory_space<vmem>>, vector<16xi32>,
        tpu.vector_store_idx %run_scoped3A[%get3A_33], %broadcast_in_dim3A_13 {add = true} : memref<10240xf32, #tpu.memory_space<vmem>>[vector<16xi32>], vector<16xf32>,
        %get3A_34 = arith.index_cast %scan3A_30 : i32 to index
        %get3A_35 = arith.constant 16 : index
        %get3A_36 = tpu.vector_load %arg10[%get3A_34, %get3A_35] {strides = array<i32>} : memref<40x125xi32, #tpu.memory_space<vmem>>, vector<16xi32>,
        tpu.vector_store_idx %run_scoped3A[%get3A_36], %broadcast_in_dim3A_13 {add = true} : memref<10240xf32, #tpu.memory_space<vmem>>[vector<16xi32>], vector<16xf32>,
        %get3A_37 = arith.index_cast %scan3A_30 : i32 to index
        %get3A_38 = arith.constant 32 : index
        %get3A_39 = tpu.vector_load %arg10[%get3A_37, %get3A_38] {strides = array<i32>} : memref<40x125xi32, #tpu.memory_space<vmem>>, vector<16xi32>,
        tpu.vector_store_idx %run_scoped3A[%get3A_39], %broadcast_in_dim3A_13 {add = true} : memref<10240xf32, #tpu.memory_space<vmem>>[vector<16xi32>], vector<16xf32>,
        %get3A_40 = arith.index_cast %scan3A_30 : i32 to index
        %get3A_41 = arith.constant 48 : index
        %get3A_42 = tpu.vector_load %arg10[%get3A_40, %get3A_41] {strides = array<i32>} : memref<40x125xi32, #tpu.memory_space<vmem>>, vector<16xi32>,
        tpu.vector_store_idx %run_scoped3A[%get3A_42], %broadcast_in_dim3A_13 {add = true} : memref<10240xf32, #tpu.memory_space<vmem>>[vector<16xi32>], vector<16xf32>,
        %get3A_43 = arith.index_cast %scan3A_30 : i32 to index
        %get3A_44 = arith.constant 64 : index
        %get3A_45 = tpu.vector_load %arg10[%get3A_43, %get3A_44] {strides = array<i32>} : memref<40x125xi32, #tpu.memory_space<vmem>>, vector<16xi32>,
        tpu.vector_store_idx %run_scoped3A[%get3A_45], %broadcast_in_dim3A_13 {add = true} : memref<10240xf32, #tpu.memory_space<vmem>>[vector<16xi32>], vector<16xf32>,
        %get3A_46 = arith.index_cast %scan3A_30 : i32 to index
        %get3A_47 = arith.constant 80 : index
        %get3A_48 = tpu.vector_load %arg10[%get3A_46, %get3A_47] {strides = array<i32>} : memref<40x125xi32, #tpu.memory_space<vmem>>, vector<16xi32>,
        tpu.vector_store_idx %run_scoped3A[%get3A_48], %broadcast_in_dim3A_13 {add = true} : memref<10240xf32, #tpu.memory_space<vmem>>[vector<16xi32>], vector<16xf32>,
        %get3A_49 = arith.index_cast %scan3A_30 : i32 to index
        %get3A_50 = arith.constant 96 : index
        %get3A_51 = tpu.vector_load %arg10[%get3A_49, %get3A_50] {strides = array<i32>} : memref<40x125xi32, #tpu.memory_space<vmem>>, vector<16xi32>,
        tpu.vector_store_idx %run_scoped3A[%get3A_51], %broadcast_in_dim3A_13 {add = true} : memref<10240xf32, #tpu.memory_space<vmem>>[vector<16xi32>], vector<16xf32>,
        %get3A_52 = arith.index_cast %scan3A_30 : i32 to index
        %get3A_53 = arith.constant 109 : index
        %get3A_54 = tpu.vector_load %arg10[%get3A_52, %get3A_53] {strides = array<i32>} : memref<40x125xi32, #tpu.memory_space<vmem>>, vector<16xi32>,
        %jit3A = arith.constant 0 : i32
        %broadcast_in_dim3A_55 = vector.broadcast %jit3A : i32 to vector<16xi32>
        %select_n3A = arith.select %ge3A_15, %get3A_54, %broadcast_in_dim3A_55 : vector<16xi1>, vector<16xi32>
        tpu.vector_store_idx %run_scoped3A[%select_n3A], %broadcast_in_dim3A_13 masked %ge3A_15 {add = true} : memref<10240xf32, #tpu.memory_space<vmem>>[vector<16xi32>], vector<16xf32>, vector<16xi1>
        %scan3A_56 = arith.constant 0 : i32
        scf.yield %scan3A_56 : i32
      }
      %scan3A_29 = arith.constant 40 : i32
      "tpu.region"() ({
        %run_scoped3A_30 = tpu.sem_alloc : memref<!tpu.dma_semaphore, #tpu.memory_space<semaphore_mem>>
        %dma_start3A = arith.constant 0 : i32
        %dma_start3A_31 = tpu.memref_slice %arg8[%add3A, %dma_start3A] : memref<32x10240xf32, #tpu.memory_space<hbm>> -> memref<1x10240xf32, #tpu.memory_space<hbm>>
        %dma_start3A_32 = tpu.memref_squeeze %dma_start3A_31 : memref<1x10240xf32, #tpu.memory_space<hbm>> -> memref<10240xf32, #tpu.memory_space<hbm>>
        %dma_start3A_33 = arith.constant 0 : i32
        %dma_start3A_34 = tpu.memref_slice %arg8[%add3A, %dma_start3A_33] : memref<32x10240xf32, #tpu.memory_space<hbm>> -> memref<1x10240xf32, #tpu.memory_space<hbm>>
        %dma_start3A_35 = tpu.memref_squeeze %dma_start3A_34 : memref<1x10240xf32, #tpu.memory_space<hbm>> -> memref<10240xf32, #tpu.memory_space<hbm>>
        tpu.enqueue_dma source(%run_scoped3A : memref<10240xf32, #tpu.memory_space<vmem>>) target(%dma_start3A_35 : memref<10240xf32, #tpu.memory_space<hbm>>) target_semaphore(%run_scoped3A_30 : memref<!tpu.dma_semaphore, #tpu.memory_space<semaphore_mem>>)
        %dma_wait3A = arith.constant 0 : i32
        %dma_wait3A_36 = tpu.memref_slice %arg8[%add3A, %dma_wait3A] : memref<32x10240xf32, #tpu.memory_space<hbm>> -> memref<1x10240xf32, #tpu.memory_space<hbm>>
        %dma_wait3A_37 = tpu.memref_squeeze %dma_wait3A_36 : memref<1x10240xf32, #tpu.memory_space<hbm>> -> memref<10240xf32, #tpu.memory_space<hbm>>
        %dma_wait3A_38 = arith.constant 0 : i32
        %dma_wait3A_39 = tpu.memref_slice %arg8[%add3A, %dma_wait3A_38] : memref<32x10240xf32, #tpu.memory_space<hbm>> -> memref<1x10240xf32, #tpu.memory_space<hbm>>
        %dma_wait3A_40 = tpu.memref_squeeze %dma_wait3A_39 : memref<1x10240xf32, #tpu.memory_space<hbm>> -> memref<10240xf32, #tpu.memory_space<hbm>>
        tpu.wait_dma2 semaphore(%run_scoped3A_30 : memref<!tpu.dma_semaphore, #tpu.memory_space<semaphore_mem>>) src(%run_scoped3A : memref<10240xf32, #tpu.memory_space<vmem>>) dst(%dma_wait3A_40 : memref<10240xf32, #tpu.memory_space<hbm>>)
        tpu.yield
      }) : () -> ()
      tpu.yield
    }) : () -> ()
    %barrier3A = arith.constant 0 : index
    tpu.barrier barrier_id(%barrier3A)
    "tpu.region"() ({
      %run_scoped3A = memref.alloca() : memref<125x128xf32, #tpu.memory_space<vmem>>
      %run_scoped3A_17 = memref.alloca() : memref<125x128xf32, #tpu.memory_space<vmem>>
      %dma_start3A = arith.constant 0 : i32
      %dma_start3A_18 = arith.constant 0 : i32
      %dma_start3A_19 = tpu.memref_slice %arg9[%dma_start3A, %dma_start3A_18] : memref<40x125xi32, #tpu.memory_space<vmem>> -> memref<1x125xi32, #tpu.memory_space<vmem>>
      %dma_start3A_20 = tpu.memref_squeeze %dma_start3A_19 : memref<1x125xi32, #tpu.memory_space<vmem>> -> memref<125xi32, #tpu.memory_space<vmem>>
      %dma_start3A_21 = arith.constant 0 : i32
      %dma_start3A_22 = arith.constant 0 : i32
      %dma_start3A_23 = tpu.memref_slice %arg2[%dma_start3A_21, %dma_start3A_22] : memref<10000x128xf32, #tpu.memory_space<hbm>> -> memref<10000x128xf32, #tpu.memory_space<hbm>>
      tpu.enqueue_indirect_dma source(%dma_start3A_23 : memref<10000x128xf32, #tpu.memory_space<hbm>>) target(%run_scoped3A : memref<125x128xf32, #tpu.memory_space<vmem>>) offsets(%dma_start3A_20 : memref<125xi32, #tpu.memory_space<vmem>>) semaphore(%arg11 : memref<!tpu.dma_semaphore, #tpu.memory_space<semaphore_mem>>)
      %scan3A = arith.constant 0 : i32
      %scan3A_24 = arith.constant 0 : i32
      %scan3A_25 = arith.constant 20 : i32
      %scan3A_26 = arith.addi %scan3A_24, %scan3A_25 : i32
      %scan3A_27 = arith.constant 1 : i32
      %scan3A_28 = scf.for %scan3A_30 = %scan3A_24 to %scan3A_26 step %scan3A_27 iter_args(%scan3A_31 = %scan3A) -> (i32)  : i32 {
        %mul3A_32 = arith.constant 2 : i32
        %mul3A_33 = arith.muli %mul3A_32, %scan3A_30 : i32
        %add3A_34 = arith.constant 1 : i32
        %add3A_35 = arith.addi %mul3A_33, %add3A_34 : i32
        %dma_start3A_36 = arith.constant 0 : i32
        %dma_start3A_37 = tpu.memref_slice %arg9[%add3A_35, %dma_start3A_36] : memref<40x125xi32, #tpu.memory_space<vmem>> -> memref<1x125xi32, #tpu.memory_space<vmem>>
        %dma_start3A_38 = tpu.memref_squeeze %dma_start3A_37 : memref<1x125xi32, #tpu.memory_space<vmem>> -> memref<125xi32, #tpu.memory_space<vmem>>
        %dma_start3A_39 = arith.constant 0 : i32
        %dma_start3A_40 = arith.constant 0 : i32
        %dma_start3A_41 = tpu.memref_slice %arg2[%dma_start3A_39, %dma_start3A_40] : memref<10000x128xf32, #tpu.memory_space<hbm>> -> memref<10000x128xf32, #tpu.memory_space<hbm>>
        tpu.enqueue_indirect_dma source(%dma_start3A_41 : memref<10000x128xf32, #tpu.memory_space<hbm>>) target(%run_scoped3A_17 : memref<125x128xf32, #tpu.memory_space<vmem>>) offsets(%dma_start3A_38 : memref<125xi32, #tpu.memory_space<vmem>>) semaphore(%arg12 : memref<!tpu.dma_semaphore, #tpu.memory_space<semaphore_mem>>)
        %dma_wait3A = arith.constant 0 : i32
        %dma_wait3A_42 = tpu.memref_slice %arg9[%mul3A_33, %dma_wait3A] : memref<40x125xi32, #tpu.memory_space<vmem>> -> memref<1x125xi32, #tpu.memory_space<vmem>>
        %dma_wait3A_43 = tpu.memref_squeeze %dma_wait3A_42 : memref<1x125xi32, #tpu.memory_space<vmem>> -> memref<125xi32, #tpu.memory_space<vmem>>
        %dma_wait3A_44 = arith.constant 0 : i32
        %dma_wait3A_45 = arith.constant 0 : i32
        %dma_wait3A_46 = tpu.memref_slice %arg2[%dma_wait3A_44, %dma_wait3A_45] : memref<10000x128xf32, #tpu.memory_space<hbm>> -> memref<10000x128xf32, #tpu.memory_space<hbm>>
        tpu.wait_indirect_dma semaphore(%arg11 : memref<!tpu.dma_semaphore, #tpu.memory_space<semaphore_mem>>) src(%dma_wait3A_46 : memref<10000x128xf32, #tpu.memory_space<hbm>>) dst(%run_scoped3A : memref<125x128xf32, #tpu.memory_space<vmem>>)
        "tpu.region"() ({
          %run_scoped3A_60 = tpu.sem_alloc : memref<!tpu.dma_semaphore, #tpu.memory_space<semaphore_mem>>
          %dma_start3A_61 = arith.constant 0 : i32
          %dma_start3A_62 = tpu.memref_slice %arg10[%mul3A_33, %dma_start3A_61] : memref<40x125xi32, #tpu.memory_space<vmem>> -> memref<1x125xi32, #tpu.memory_space<vmem>>
          %dma_start3A_63 = tpu.memref_squeeze %dma_start3A_62 : memref<1x125xi32, #tpu.memory_space<vmem>> -> memref<125xi32, #tpu.memory_space<vmem>>
          %dma_start3A_64 = arith.constant 0 : i32
          %dma_start3A_65 = arith.constant 0 : i32
          %dma_start3A_66 = tpu.memref_slice %arg13[%dma_start3A_64, %dma_start3A_65] : memref<10240x128xf32, #tpu.memory_space<vmem_shared>> -> memref<10240x128xf32, #tpu.memory_space<vmem_shared>>
          tpu.enqueue_indirect_dma source(%run_scoped3A : memref<125x128xf32, #tpu.memory_space<vmem>>) target(%dma_start3A_66 : memref<10240x128xf32, #tpu.memory_space<vmem_shared>>) offsets(%dma_start3A_63 : memref<125xi32, #tpu.memory_space<vmem>>) semaphore(%run_scoped3A_60 : memref<!tpu.dma_semaphore, #tpu.memory_space<semaphore_mem>>) {add = true}
          %dma_wait3A_67 = arith.constant 0 : i32
          %dma_wait3A_68 = tpu.memref_slice %arg10[%mul3A_33, %dma_wait3A_67] : memref<40x125xi32, #tpu.memory_space<vmem>> -> memref<1x125xi32, #tpu.memory_space<vmem>>
          %dma_wait3A_69 = tpu.memref_squeeze %dma_wait3A_68 : memref<1x125xi32, #tpu.memory_space<vmem>> -> memref<125xi32, #tpu.memory_space<vmem>>
          %dma_wait3A_70 = arith.constant 0 : i32
          %dma_wait3A_71 = arith.constant 0 : i32
          %dma_wait3A_72 = tpu.memref_slice %arg13[%dma_wait3A_70, %dma_wait3A_71] : memref<10240x128xf32, #tpu.memory_space<vmem_shared>> -> memref<10240x128xf32, #tpu.memory_space<vmem_shared>>
          tpu.wait_indirect_dma semaphore(%run_scoped3A_60 : memref<!tpu.dma_semaphore, #tpu.memory_space<semaphore_mem>>) src(%run_scoped3A : memref<125x128xf32, #tpu.memory_space<vmem>>) dst(%dma_wait3A_72 : memref<10240x128xf32, #tpu.memory_space<vmem_shared>>)
          tpu.yield
        }) : () -> ()
        %add3A_47 = arith.constant 2 : i32
        %add3A_48 = arith.addi %mul3A_33, %add3A_47 : i32
        %lt3A = arith.constant 40 : i32
        %lt3A_49 = arith.cmpi slt, %add3A_48, %lt3A : i32
        %convert_element_type3A = arith.extui %lt3A_49 : i1 to i32
        %cond3A = arith.constant 0 : i32
        %cond3A_50 = arith.cmpi ne, %convert_element_type3A, %cond3A : i32
        scf.if %cond3A_50 {
          %add3A_60 = arith.constant 2 : i32
          %add3A_61 = arith.addi %mul3A_33, %add3A_60 : i32
          %dma_start3A_62 = arith.constant 0 : i32
          %dma_start3A_63 = tpu.memref_slice %arg9[%add3A_61, %dma_start3A_62] : memref<40x125xi32, #tpu.memory_space<vmem>> -> memref<1x125xi32, #tpu.memory_space<vmem>>
          %dma_start3A_64 = tpu.memref_squeeze %dma_start3A_63 : memref<1x125xi32, #tpu.memory_space<vmem>> -> memref<125xi32, #tpu.memory_space<vmem>>
          %dma_start3A_65 = arith.constant 0 : i32
          %dma_start3A_66 = arith.constant 0 : i32
          %dma_start3A_67 = tpu.memref_slice %arg2[%dma_start3A_65, %dma_start3A_66] : memref<10000x128xf32, #tpu.memory_space<hbm>> -> memref<10000x128xf32, #tpu.memory_space<hbm>>
          tpu.enqueue_indirect_dma source(%dma_start3A_67 : memref<10000x128xf32, #tpu.memory_space<hbm>>) target(%run_scoped3A : memref<125x128xf32, #tpu.memory_space<vmem>>) offsets(%dma_start3A_64 : memref<125xi32, #tpu.memory_space<vmem>>) semaphore(%arg11 : memref<!tpu.dma_semaphore, #tpu.memory_space<semaphore_mem>>)
        } else {
        }
        %add3A_51 = arith.constant 1 : i32
        %add3A_52 = arith.addi %mul3A_33, %add3A_51 : i32
        %dma_wait3A_53 = arith.constant 0 : i32
        %dma_wait3A_54 = tpu.memref_slice %arg9[%add3A_52, %dma_wait3A_53] : memref<40x125xi32, #tpu.memory_space<vmem>> -> memref<1x125xi32, #tpu.memory_space<vmem>>
        %dma_wait3A_55 = tpu.memref_squeeze %dma_wait3A_54 : memref<1x125xi32, #tpu.memory_space<vmem>> -> memref<125xi32, #tpu.memory_space<vmem>>
        %dma_wait3A_56 = arith.constant 0 : i32
        %dma_wait3A_57 = arith.constant 0 : i32
        %dma_wait3A_58 = tpu.memref_slice %arg2[%dma_wait3A_56, %dma_wait3A_57] : memref<10000x128xf32, #tpu.memory_space<hbm>> -> memref<10000x128xf32, #tpu.memory_space<hbm>>
        tpu.wait_indirect_dma semaphore(%arg12 : memref<!tpu.dma_semaphore, #tpu.memory_space<semaphore_mem>>) src(%dma_wait3A_58 : memref<10000x128xf32, #tpu.memory_space<hbm>>) dst(%run_scoped3A_17 : memref<125x128xf32, #tpu.memory_space<vmem>>)
        "tpu.region"() ({
          %run_scoped3A_60 = tpu.sem_alloc : memref<!tpu.dma_semaphore, #tpu.memory_space<semaphore_mem>>
          %dma_start3A_61 = arith.constant 0 : i32
          %dma_start3A_62 = tpu.memref_slice %arg10[%add3A_52, %dma_start3A_61] : memref<40x125xi32, #tpu.memory_space<vmem>> -> memref<1x125xi32, #tpu.memory_space<vmem>>
          %dma_start3A_63 = tpu.memref_squeeze %dma_start3A_62 : memref<1x125xi32, #tpu.memory_space<vmem>> -> memref<125xi32, #tpu.memory_space<vmem>>
          %dma_start3A_64 = arith.constant 0 : i32
          %dma_start3A_65 = arith.constant 0 : i32
          %dma_start3A_66 = tpu.memref_slice %arg13[%dma_start3A_64, %dma_start3A_65] : memref<10240x128xf32, #tpu.memory_space<vmem_shared>> -> memref<10240x128xf32, #tpu.memory_space<vmem_shared>>
          tpu.enqueue_indirect_dma source(%run_scoped3A_17 : memref<125x128xf32, #tpu.memory_space<vmem>>) target(%dma_start3A_66 : memref<10240x128xf32, #tpu.memory_space<vmem_shared>>) offsets(%dma_start3A_63 : memref<125xi32, #tpu.memory_space<vmem>>) semaphore(%run_scoped3A_60 : memref<!tpu.dma_semaphore, #tpu.memory_space<semaphore_mem>>) {add = true}
          %dma_wait3A_67 = arith.constant 0 : i32
          %dma_wait3A_68 = tpu.memref_slice %arg10[%add3A_52, %dma_wait3A_67] : memref<40x125xi32, #tpu.memory_space<vmem>> -> memref<1x125xi32, #tpu.memory_space<vmem>>
          %dma_wait3A_69 = tpu.memref_squeeze %dma_wait3A_68 : memref<1x125xi32, #tpu.memory_space<vmem>> -> memref<125xi32, #tpu.memory_space<vmem>>
          %dma_wait3A_70 = arith.constant 0 : i32
          %dma_wait3A_71 = arith.constant 0 : i32
          %dma_wait3A_72 = tpu.memref_slice %arg13[%dma_wait3A_70, %dma_wait3A_71] : memref<10240x128xf32, #tpu.memory_space<vmem_shared>> -> memref<10240x128xf32, #tpu.memory_space<vmem_shared>>
          tpu.wait_indirect_dma semaphore(%run_scoped3A_60 : memref<!tpu.dma_semaphore, #tpu.memory_space<semaphore_mem>>) src(%run_scoped3A_17 : memref<125x128xf32, #tpu.memory_space<vmem>>) dst(%dma_wait3A_72 : memref<10240x128xf32, #tpu.memory_space<vmem_shared>>)
          tpu.yield
        }) : () -> ()
        %scan3A_59 = arith.constant 0 : i32
        scf.yield %scan3A_59 : i32
      }
      %scan3A_29 = arith.constant 20 : i32
      tpu.yield
    }) : () -> ()
    %barrier3A_16 = arith.constant 0 : index
    tpu.barrier barrier_id(%barrier3A_16)
    "tpu.region"() ({
      %run_scoped3A = tpu.sem_alloc : memref<!tpu.dma_semaphore, #tpu.memory_space<semaphore_mem>>
      %dma_start3A = arith.constant 0 : i32
      %dma_start3A_17 = tpu.memref_slice %arg7[%arg0, %mul3A_2, %dma_start3A] : memref<2x10240x128xf32, #tpu.memory_space<hbm>> -> memref<1x640x128xf32, #tpu.memory_space<hbm>>
      %dma_start3A_18 = tpu.memref_squeeze %dma_start3A_17 : memref<1x640x128xf32, #tpu.memory_space<hbm>> -> memref<640x128xf32, #tpu.memory_space<hbm>>
      %dma_start3A_19 = arith.constant 0 : i32
      %dma_start3A_20 = tpu.memref_slice %arg13[%mul3A_2, %dma_start3A_19] : memref<10240x128xf32, #tpu.memory_space<vmem_shared>> -> memref<640x128xf32, #tpu.memory_space<vmem_shared>>
      tpu.enqueue_dma source(%dma_start3A_20 : memref<640x128xf32, #tpu.memory_space<vmem_shared>>) target(%dma_start3A_18 : memref<640x128xf32, #tpu.memory_space<hbm>>) target_semaphore(%run_scoped3A : memref<!tpu.dma_semaphore, #tpu.memory_space<semaphore_mem>>)
      %dma_wait3A = arith.constant 0 : i32
      %dma_wait3A_21 = tpu.memref_slice %arg7[%arg0, %mul3A_2, %dma_wait3A] : memref<2x10240x128xf32, #tpu.memory_space<hbm>> -> memref<1x640x128xf32, #tpu.memory_space<hbm>>
      %dma_wait3A_22 = tpu.memref_squeeze %dma_wait3A_21 : memref<1x640x128xf32, #tpu.memory_space<hbm>> -> memref<640x128xf32, #tpu.memory_space<hbm>>
      %dma_wait3A_23 = arith.constant 0 : i32
      %dma_wait3A_24 = tpu.memref_slice %arg13[%mul3A_2, %dma_wait3A_23] : memref<10240x128xf32, #tpu.memory_space<vmem_shared>> -> memref<640x128xf32, #tpu.memory_space<vmem_shared>>
      tpu.wait_dma2 semaphore(%run_scoped3A : memref<!tpu.dma_semaphore, #tpu.memory_space<semaphore_mem>>) src(%dma_wait3A_24 : memref<640x128xf32, #tpu.memory_space<vmem_shared>>) dst(%dma_wait3A_22 : memref<640x128xf32, #tpu.memory_space<hbm>>)
      tpu.yield
    }) : () -> ()
    return
  }
}

#map = affine_map<(d0, d1) -> (0, 0)>
#map1 = affine_map<(d0, d1) -> (0, 0, 0)>
#map2 = affine_map<(d0, d1) -> (0)>
module attributes {stable_mosaic.version = 14 : i64} {
  func.func @sc_agg(%arg0: i32, %arg1: i32, %arg2: memref<10000x128xf32, #tpu.memory_space<hbm>>, %arg3: memref<32x40x125xi32, #tpu.memory_space<hbm>>, %arg4: memref<32x40x125xi32, #tpu.memory_space<hbm>>, %arg5: memref<160000xi32, #tpu.memory_space<hbm>>, %arg6: memref<128x128xf32, #tpu.memory_space<hbm>>, %arg7: memref<2x10240x128xf32, #tpu.memory_space<hbm>>, %arg8: memref<40x125xi32, #tpu.memory_space<vmem>>, %arg9: memref<40x125xi32, #tpu.memory_space<vmem>>, %arg10: memref<!tpu.dma_semaphore, #tpu.memory_space<semaphore_mem>>, %arg11: memref<!tpu.dma_semaphore, #tpu.memory_space<semaphore_mem>>, %arg12: memref<10240x128xf32, #tpu.memory_space<vmem_shared>>) attributes {dimension_semantics = [#tpu.dimension_semantics<core_parallel>, #tpu.dimension_semantics<subcore_parallel>], iteration_bounds = array<i64: 2, 16>, scalar_prefetch = 0 : i64, scratch_operands = 5 : i64, tpu.core_type = #tpu.core_type<sc_vector_subcore>, window_params = [{transform_indices = #map}, {transform_indices = #map1}, {transform_indices = #map1}, {transform_indices = #map2}, {transform_indices = #map}, {transform_indices = #map1}]} {
    %mul3A = arith.constant 16 : i32
    %mul3A_0 = arith.muli %arg0, %mul3A : i32
    %add3A = arith.addi %mul3A_0, %arg1 : i32
    %mul3A_1 = arith.constant 640 : i32
    %mul3A_2 = arith.muli %arg1, %mul3A_1 : i32
    "tpu.region"() ({
      %run_scoped3A = tpu.sem_alloc : memref<!tpu.dma_semaphore, #tpu.memory_space<semaphore_mem>>
      %dma_start3A = arith.constant 0 : i32
      %dma_start3A_14 = arith.constant 0 : i32
      %dma_start3A_15 = tpu.memref_slice %arg3[%add3A, %dma_start3A, %dma_start3A_14] : memref<32x40x125xi32, #tpu.memory_space<hbm>> -> memref<1x40x125xi32, #tpu.memory_space<hbm>>
      %dma_start3A_16 = tpu.memref_squeeze %dma_start3A_15 : memref<1x40x125xi32, #tpu.memory_space<hbm>> -> memref<40x125xi32, #tpu.memory_space<hbm>>
      %dma_start3A_17 = arith.constant 0 : i32
      %dma_start3A_18 = arith.constant 0 : i32
      %dma_start3A_19 = tpu.memref_slice %arg3[%add3A, %dma_start3A_17, %dma_start3A_18] : memref<32x40x125xi32, #tpu.memory_space<hbm>> -> memref<1x40x125xi32, #tpu.memory_space<hbm>>
      %dma_start3A_20 = tpu.memref_squeeze %dma_start3A_19 : memref<1x40x125xi32, #tpu.memory_space<hbm>> -> memref<40x125xi32, #tpu.memory_space<hbm>>
      tpu.enqueue_dma source(%dma_start3A_20 : memref<40x125xi32, #tpu.memory_space<hbm>>) target(%arg8 : memref<40x125xi32, #tpu.memory_space<vmem>>) target_semaphore(%run_scoped3A : memref<!tpu.dma_semaphore, #tpu.memory_space<semaphore_mem>>)
      %dma_wait3A = arith.constant 0 : i32
      %dma_wait3A_21 = arith.constant 0 : i32
      %dma_wait3A_22 = tpu.memref_slice %arg3[%add3A, %dma_wait3A, %dma_wait3A_21] : memref<32x40x125xi32, #tpu.memory_space<hbm>> -> memref<1x40x125xi32, #tpu.memory_space<hbm>>
      %dma_wait3A_23 = tpu.memref_squeeze %dma_wait3A_22 : memref<1x40x125xi32, #tpu.memory_space<hbm>> -> memref<40x125xi32, #tpu.memory_space<hbm>>
      %dma_wait3A_24 = arith.constant 0 : i32
      %dma_wait3A_25 = arith.constant 0 : i32
      %dma_wait3A_26 = tpu.memref_slice %arg3[%add3A, %dma_wait3A_24, %dma_wait3A_25] : memref<32x40x125xi32, #tpu.memory_space<hbm>> -> memref<1x40x125xi32, #tpu.memory_space<hbm>>
      %dma_wait3A_27 = tpu.memref_squeeze %dma_wait3A_26 : memref<1x40x125xi32, #tpu.memory_space<hbm>> -> memref<40x125xi32, #tpu.memory_space<hbm>>
      tpu.wait_dma2 semaphore(%run_scoped3A : memref<!tpu.dma_semaphore, #tpu.memory_space<semaphore_mem>>) src(%dma_wait3A_27 : memref<40x125xi32, #tpu.memory_space<hbm>>) dst(%arg8 : memref<40x125xi32, #tpu.memory_space<vmem>>)
      tpu.yield
    }) : () -> ()
    "tpu.region"() ({
      %run_scoped3A = tpu.sem_alloc : memref<!tpu.dma_semaphore, #tpu.memory_space<semaphore_mem>>
      %dma_start3A = arith.constant 0 : i32
      %dma_start3A_14 = arith.constant 0 : i32
      %dma_start3A_15 = tpu.memref_slice %arg4[%add3A, %dma_start3A, %dma_start3A_14] : memref<32x40x125xi32, #tpu.memory_space<hbm>> -> memref<1x40x125xi32, #tpu.memory_space<hbm>>
      %dma_start3A_16 = tpu.memref_squeeze %dma_start3A_15 : memref<1x40x125xi32, #tpu.memory_space<hbm>> -> memref<40x125xi32, #tpu.memory_space<hbm>>
      %dma_start3A_17 = arith.constant 0 : i32
      %dma_start3A_18 = arith.constant 0 : i32
      %dma_start3A_19 = tpu.memref_slice %arg4[%add3A, %dma_start3A_17, %dma_start3A_18] : memref<32x40x125xi32, #tpu.memory_space<hbm>> -> memref<1x40x125xi32, #tpu.memory_space<hbm>>
      %dma_start3A_20 = tpu.memref_squeeze %dma_start3A_19 : memref<1x40x125xi32, #tpu.memory_space<hbm>> -> memref<40x125xi32, #tpu.memory_space<hbm>>
      tpu.enqueue_dma source(%dma_start3A_20 : memref<40x125xi32, #tpu.memory_space<hbm>>) target(%arg9 : memref<40x125xi32, #tpu.memory_space<vmem>>) target_semaphore(%run_scoped3A : memref<!tpu.dma_semaphore, #tpu.memory_space<semaphore_mem>>)
      %dma_wait3A = arith.constant 0 : i32
      %dma_wait3A_21 = arith.constant 0 : i32
      %dma_wait3A_22 = tpu.memref_slice %arg4[%add3A, %dma_wait3A, %dma_wait3A_21] : memref<32x40x125xi32, #tpu.memory_space<hbm>> -> memref<1x40x125xi32, #tpu.memory_space<hbm>>
      %dma_wait3A_23 = tpu.memref_squeeze %dma_wait3A_22 : memref<1x40x125xi32, #tpu.memory_space<hbm>> -> memref<40x125xi32, #tpu.memory_space<hbm>>
      %dma_wait3A_24 = arith.constant 0 : i32
      %dma_wait3A_25 = arith.constant 0 : i32
      %dma_wait3A_26 = tpu.memref_slice %arg4[%add3A, %dma_wait3A_24, %dma_wait3A_25] : memref<32x40x125xi32, #tpu.memory_space<hbm>> -> memref<1x40x125xi32, #tpu.memory_space<hbm>>
      %dma_wait3A_27 = tpu.memref_squeeze %dma_wait3A_26 : memref<1x40x125xi32, #tpu.memory_space<hbm>> -> memref<40x125xi32, #tpu.memory_space<hbm>>
      tpu.wait_dma2 semaphore(%run_scoped3A : memref<!tpu.dma_semaphore, #tpu.memory_space<semaphore_mem>>) src(%dma_wait3A_27 : memref<40x125xi32, #tpu.memory_space<hbm>>) dst(%arg9 : memref<40x125xi32, #tpu.memory_space<vmem>>)
      tpu.yield
    }) : () -> ()
    %add3A_3 = arith.constant 0 : i32
    %add3A_4 = arith.addi %mul3A_2, %add3A_3 : i32
    "tpu.region"() ({
      %run_scoped3A = tpu.sem_alloc : memref<!tpu.dma_semaphore, #tpu.memory_space<semaphore_mem>>
      %dma_start3A = arith.constant 0 : i32
      %dma_start3A_14 = tpu.memref_slice %arg12[%add3A_4, %dma_start3A] : memref<10240x128xf32, #tpu.memory_space<vmem_shared>> -> memref<128x128xf32, #tpu.memory_space<vmem_shared>>
      tpu.enqueue_dma source(%arg6 : memref<128x128xf32, #tpu.memory_space<hbm>>) target(%dma_start3A_14 : memref<128x128xf32, #tpu.memory_space<vmem_shared>>) target_semaphore(%run_scoped3A : memref<!tpu.dma_semaphore, #tpu.memory_space<semaphore_mem>>)
      %dma_wait3A = arith.constant 0 : i32
      %dma_wait3A_15 = tpu.memref_slice %arg12[%add3A_4, %dma_wait3A] : memref<10240x128xf32, #tpu.memory_space<vmem_shared>> -> memref<128x128xf32, #tpu.memory_space<vmem_shared>>
      tpu.wait_dma2 semaphore(%run_scoped3A : memref<!tpu.dma_semaphore, #tpu.memory_space<semaphore_mem>>) src(%arg6 : memref<128x128xf32, #tpu.memory_space<hbm>>) dst(%dma_wait3A_15 : memref<128x128xf32, #tpu.memory_space<vmem_shared>>)
      tpu.yield
    }) : () -> ()
    %add3A_5 = arith.constant 128 : i32
    %add3A_6 = arith.addi %mul3A_2, %add3A_5 : i32
    "tpu.region"() ({
      %run_scoped3A = tpu.sem_alloc : memref<!tpu.dma_semaphore, #tpu.memory_space<semaphore_mem>>
      %dma_start3A = arith.constant 0 : i32
      %dma_start3A_14 = tpu.memref_slice %arg12[%add3A_6, %dma_start3A] : memref<10240x128xf32, #tpu.memory_space<vmem_shared>> -> memref<128x128xf32, #tpu.memory_space<vmem_shared>>
      tpu.enqueue_dma source(%arg6 : memref<128x128xf32, #tpu.memory_space<hbm>>) target(%dma_start3A_14 : memref<128x128xf32, #tpu.memory_space<vmem_shared>>) target_semaphore(%run_scoped3A : memref<!tpu.dma_semaphore, #tpu.memory_space<semaphore_mem>>)
      %dma_wait3A = arith.constant 0 : i32
      %dma_wait3A_15 = tpu.memref_slice %arg12[%add3A_6, %dma_wait3A] : memref<10240x128xf32, #tpu.memory_space<vmem_shared>> -> memref<128x128xf32, #tpu.memory_space<vmem_shared>>
      tpu.wait_dma2 semaphore(%run_scoped3A : memref<!tpu.dma_semaphore, #tpu.memory_space<semaphore_mem>>) src(%arg6 : memref<128x128xf32, #tpu.memory_space<hbm>>) dst(%dma_wait3A_15 : memref<128x128xf32, #tpu.memory_space<vmem_shared>>)
      tpu.yield
    }) : () -> ()
    %add3A_7 = arith.constant 256 : i32
    %add3A_8 = arith.addi %mul3A_2, %add3A_7 : i32
    "tpu.region"() ({
      %run_scoped3A = tpu.sem_alloc : memref<!tpu.dma_semaphore, #tpu.memory_space<semaphore_mem>>
      %dma_start3A = arith.constant 0 : i32
      %dma_start3A_14 = tpu.memref_slice %arg12[%add3A_8, %dma_start3A] : memref<10240x128xf32, #tpu.memory_space<vmem_shared>> -> memref<128x128xf32, #tpu.memory_space<vmem_shared>>
      tpu.enqueue_dma source(%arg6 : memref<128x128xf32, #tpu.memory_space<hbm>>) target(%dma_start3A_14 : memref<128x128xf32, #tpu.memory_space<vmem_shared>>) target_semaphore(%run_scoped3A : memref<!tpu.dma_semaphore, #tpu.memory_space<semaphore_mem>>)
      %dma_wait3A = arith.constant 0 : i32
      %dma_wait3A_15 = tpu.memref_slice %arg12[%add3A_8, %dma_wait3A] : memref<10240x128xf32, #tpu.memory_space<vmem_shared>> -> memref<128x128xf32, #tpu.memory_space<vmem_shared>>
      tpu.wait_dma2 semaphore(%run_scoped3A : memref<!tpu.dma_semaphore, #tpu.memory_space<semaphore_mem>>) src(%arg6 : memref<128x128xf32, #tpu.memory_space<hbm>>) dst(%dma_wait3A_15 : memref<128x128xf32, #tpu.memory_space<vmem_shared>>)
      tpu.yield
    }) : () -> ()
    %add3A_9 = arith.constant 384 : i32
    %add3A_10 = arith.addi %mul3A_2, %add3A_9 : i32
    "tpu.region"() ({
      %run_scoped3A = tpu.sem_alloc : memref<!tpu.dma_semaphore, #tpu.memory_space<semaphore_mem>>
      %dma_start3A = arith.constant 0 : i32
      %dma_start3A_14 = tpu.memref_slice %arg12[%add3A_10, %dma_start3A] : memref<10240x128xf32, #tpu.memory_space<vmem_shared>> -> memref<128x128xf32, #tpu.memory_space<vmem_shared>>
      tpu.enqueue_dma source(%arg6 : memref<128x128xf32, #tpu.memory_space<hbm>>) target(%dma_start3A_14 : memref<128x128xf32, #tpu.memory_space<vmem_shared>>) target_semaphore(%run_scoped3A : memref<!tpu.dma_semaphore, #tpu.memory_space<semaphore_mem>>)
      %dma_wait3A = arith.constant 0 : i32
      %dma_wait3A_15 = tpu.memref_slice %arg12[%add3A_10, %dma_wait3A] : memref<10240x128xf32, #tpu.memory_space<vmem_shared>> -> memref<128x128xf32, #tpu.memory_space<vmem_shared>>
      tpu.wait_dma2 semaphore(%run_scoped3A : memref<!tpu.dma_semaphore, #tpu.memory_space<semaphore_mem>>) src(%arg6 : memref<128x128xf32, #tpu.memory_space<hbm>>) dst(%dma_wait3A_15 : memref<128x128xf32, #tpu.memory_space<vmem_shared>>)
      tpu.yield
    }) : () -> ()
    %add3A_11 = arith.constant 512 : i32
    %add3A_12 = arith.addi %mul3A_2, %add3A_11 : i32
    "tpu.region"() ({
      %run_scoped3A = tpu.sem_alloc : memref<!tpu.dma_semaphore, #tpu.memory_space<semaphore_mem>>
      %dma_start3A = arith.constant 0 : i32
      %dma_start3A_14 = tpu.memref_slice %arg12[%add3A_12, %dma_start3A] : memref<10240x128xf32, #tpu.memory_space<vmem_shared>> -> memref<128x128xf32, #tpu.memory_space<vmem_shared>>
      tpu.enqueue_dma source(%arg6 : memref<128x128xf32, #tpu.memory_space<hbm>>) target(%dma_start3A_14 : memref<128x128xf32, #tpu.memory_space<vmem_shared>>) target_semaphore(%run_scoped3A : memref<!tpu.dma_semaphore, #tpu.memory_space<semaphore_mem>>)
      %dma_wait3A = arith.constant 0 : i32
      %dma_wait3A_15 = tpu.memref_slice %arg12[%add3A_12, %dma_wait3A] : memref<10240x128xf32, #tpu.memory_space<vmem_shared>> -> memref<128x128xf32, #tpu.memory_space<vmem_shared>>
      tpu.wait_dma2 semaphore(%run_scoped3A : memref<!tpu.dma_semaphore, #tpu.memory_space<semaphore_mem>>) src(%arg6 : memref<128x128xf32, #tpu.memory_space<hbm>>) dst(%dma_wait3A_15 : memref<128x128xf32, #tpu.memory_space<vmem_shared>>)
      tpu.yield
    }) : () -> ()
    %barrier3A = arith.constant 0 : index
    tpu.barrier barrier_id(%barrier3A)
    "tpu.region"() ({
      %run_scoped3A = memref.alloca() : memref<125x128xf32, #tpu.memory_space<vmem>>
      %run_scoped3A_14 = memref.alloca() : memref<125x128xf32, #tpu.memory_space<vmem>>
      %dma_start3A = arith.constant 0 : i32
      %dma_start3A_15 = arith.constant 0 : i32
      %dma_start3A_16 = tpu.memref_slice %arg8[%dma_start3A, %dma_start3A_15] : memref<40x125xi32, #tpu.memory_space<vmem>> -> memref<1x125xi32, #tpu.memory_space<vmem>>
      %dma_start3A_17 = tpu.memref_squeeze %dma_start3A_16 : memref<1x125xi32, #tpu.memory_space<vmem>> -> memref<125xi32, #tpu.memory_space<vmem>>
      %dma_start3A_18 = arith.constant 0 : i32
      %dma_start3A_19 = arith.constant 0 : i32
      %dma_start3A_20 = tpu.memref_slice %arg2[%dma_start3A_18, %dma_start3A_19] : memref<10000x128xf32, #tpu.memory_space<hbm>> -> memref<10000x128xf32, #tpu.memory_space<hbm>>
      tpu.enqueue_indirect_dma source(%dma_start3A_20 : memref<10000x128xf32, #tpu.memory_space<hbm>>) target(%run_scoped3A : memref<125x128xf32, #tpu.memory_space<vmem>>) offsets(%dma_start3A_17 : memref<125xi32, #tpu.memory_space<vmem>>) semaphore(%arg10 : memref<!tpu.dma_semaphore, #tpu.memory_space<semaphore_mem>>)
      %scan3A = arith.constant 0 : i32
      %scan3A_21 = arith.constant 0 : i32
      %scan3A_22 = arith.constant 20 : i32
      %scan3A_23 = arith.addi %scan3A_21, %scan3A_22 : i32
      %scan3A_24 = arith.constant 1 : i32
      %scan3A_25 = scf.for %scan3A_27 = %scan3A_21 to %scan3A_23 step %scan3A_24 iter_args(%scan3A_28 = %scan3A) -> (i32)  : i32 {
        %mul3A_29 = arith.constant 2 : i32
        %mul3A_30 = arith.muli %mul3A_29, %scan3A_27 : i32
        %add3A_31 = arith.constant 1 : i32
        %add3A_32 = arith.addi %mul3A_30, %add3A_31 : i32
        %dma_start3A_33 = arith.constant 0 : i32
        %dma_start3A_34 = tpu.memref_slice %arg8[%add3A_32, %dma_start3A_33] : memref<40x125xi32, #tpu.memory_space<vmem>> -> memref<1x125xi32, #tpu.memory_space<vmem>>
        %dma_start3A_35 = tpu.memref_squeeze %dma_start3A_34 : memref<1x125xi32, #tpu.memory_space<vmem>> -> memref<125xi32, #tpu.memory_space<vmem>>
        %dma_start3A_36 = arith.constant 0 : i32
        %dma_start3A_37 = arith.constant 0 : i32
        %dma_start3A_38 = tpu.memref_slice %arg2[%dma_start3A_36, %dma_start3A_37] : memref<10000x128xf32, #tpu.memory_space<hbm>> -> memref<10000x128xf32, #tpu.memory_space<hbm>>
        tpu.enqueue_indirect_dma source(%dma_start3A_38 : memref<10000x128xf32, #tpu.memory_space<hbm>>) target(%run_scoped3A_14 : memref<125x128xf32, #tpu.memory_space<vmem>>) offsets(%dma_start3A_35 : memref<125xi32, #tpu.memory_space<vmem>>) semaphore(%arg11 : memref<!tpu.dma_semaphore, #tpu.memory_space<semaphore_mem>>)
        %dma_wait3A = arith.constant 0 : i32
        %dma_wait3A_39 = tpu.memref_slice %arg8[%mul3A_30, %dma_wait3A] : memref<40x125xi32, #tpu.memory_space<vmem>> -> memref<1x125xi32, #tpu.memory_space<vmem>>
        %dma_wait3A_40 = tpu.memref_squeeze %dma_wait3A_39 : memref<1x125xi32, #tpu.memory_space<vmem>> -> memref<125xi32, #tpu.memory_space<vmem>>
        %dma_wait3A_41 = arith.constant 0 : i32
        %dma_wait3A_42 = arith.constant 0 : i32
        %dma_wait3A_43 = tpu.memref_slice %arg2[%dma_wait3A_41, %dma_wait3A_42] : memref<10000x128xf32, #tpu.memory_space<hbm>> -> memref<10000x128xf32, #tpu.memory_space<hbm>>
        tpu.wait_indirect_dma semaphore(%arg10 : memref<!tpu.dma_semaphore, #tpu.memory_space<semaphore_mem>>) src(%dma_wait3A_43 : memref<10000x128xf32, #tpu.memory_space<hbm>>) dst(%run_scoped3A : memref<125x128xf32, #tpu.memory_space<vmem>>)
        "tpu.region"() ({
          %run_scoped3A_57 = tpu.sem_alloc : memref<!tpu.dma_semaphore, #tpu.memory_space<semaphore_mem>>
          %dma_start3A_58 = arith.constant 0 : i32
          %dma_start3A_59 = tpu.memref_slice %arg9[%mul3A_30, %dma_start3A_58] : memref<40x125xi32, #tpu.memory_space<vmem>> -> memref<1x125xi32, #tpu.memory_space<vmem>>
          %dma_start3A_60 = tpu.memref_squeeze %dma_start3A_59 : memref<1x125xi32, #tpu.memory_space<vmem>> -> memref<125xi32, #tpu.memory_space<vmem>>
          %dma_start3A_61 = arith.constant 0 : i32
          %dma_start3A_62 = arith.constant 0 : i32
          %dma_start3A_63 = tpu.memref_slice %arg12[%dma_start3A_61, %dma_start3A_62] : memref<10240x128xf32, #tpu.memory_space<vmem_shared>> -> memref<10240x128xf32, #tpu.memory_space<vmem_shared>>
          tpu.enqueue_indirect_dma source(%run_scoped3A : memref<125x128xf32, #tpu.memory_space<vmem>>) target(%dma_start3A_63 : memref<10240x128xf32, #tpu.memory_space<vmem_shared>>) offsets(%dma_start3A_60 : memref<125xi32, #tpu.memory_space<vmem>>) semaphore(%run_scoped3A_57 : memref<!tpu.dma_semaphore, #tpu.memory_space<semaphore_mem>>) {add = true}
          %dma_wait3A_64 = arith.constant 0 : i32
          %dma_wait3A_65 = tpu.memref_slice %arg9[%mul3A_30, %dma_wait3A_64] : memref<40x125xi32, #tpu.memory_space<vmem>> -> memref<1x125xi32, #tpu.memory_space<vmem>>
          %dma_wait3A_66 = tpu.memref_squeeze %dma_wait3A_65 : memref<1x125xi32, #tpu.memory_space<vmem>> -> memref<125xi32, #tpu.memory_space<vmem>>
          %dma_wait3A_67 = arith.constant 0 : i32
          %dma_wait3A_68 = arith.constant 0 : i32
          %dma_wait3A_69 = tpu.memref_slice %arg12[%dma_wait3A_67, %dma_wait3A_68] : memref<10240x128xf32, #tpu.memory_space<vmem_shared>> -> memref<10240x128xf32, #tpu.memory_space<vmem_shared>>
          tpu.wait_indirect_dma semaphore(%run_scoped3A_57 : memref<!tpu.dma_semaphore, #tpu.memory_space<semaphore_mem>>) src(%run_scoped3A : memref<125x128xf32, #tpu.memory_space<vmem>>) dst(%dma_wait3A_69 : memref<10240x128xf32, #tpu.memory_space<vmem_shared>>)
          tpu.yield
        }) : () -> ()
        %add3A_44 = arith.constant 2 : i32
        %add3A_45 = arith.addi %mul3A_30, %add3A_44 : i32
        %lt3A = arith.constant 40 : i32
        %lt3A_46 = arith.cmpi slt, %add3A_45, %lt3A : i32
        %convert_element_type3A = arith.extui %lt3A_46 : i1 to i32
        %cond3A = arith.constant 0 : i32
        %cond3A_47 = arith.cmpi ne, %convert_element_type3A, %cond3A : i32
        scf.if %cond3A_47 {
          %add3A_57 = arith.constant 2 : i32
          %add3A_58 = arith.addi %mul3A_30, %add3A_57 : i32
          %dma_start3A_59 = arith.constant 0 : i32
          %dma_start3A_60 = tpu.memref_slice %arg8[%add3A_58, %dma_start3A_59] : memref<40x125xi32, #tpu.memory_space<vmem>> -> memref<1x125xi32, #tpu.memory_space<vmem>>
          %dma_start3A_61 = tpu.memref_squeeze %dma_start3A_60 : memref<1x125xi32, #tpu.memory_space<vmem>> -> memref<125xi32, #tpu.memory_space<vmem>>
          %dma_start3A_62 = arith.constant 0 : i32
          %dma_start3A_63 = arith.constant 0 : i32
          %dma_start3A_64 = tpu.memref_slice %arg2[%dma_start3A_62, %dma_start3A_63] : memref<10000x128xf32, #tpu.memory_space<hbm>> -> memref<10000x128xf32, #tpu.memory_space<hbm>>
          tpu.enqueue_indirect_dma source(%dma_start3A_64 : memref<10000x128xf32, #tpu.memory_space<hbm>>) target(%run_scoped3A : memref<125x128xf32, #tpu.memory_space<vmem>>) offsets(%dma_start3A_61 : memref<125xi32, #tpu.memory_space<vmem>>) semaphore(%arg10 : memref<!tpu.dma_semaphore, #tpu.memory_space<semaphore_mem>>)
        } else {
        }
        %add3A_48 = arith.constant 1 : i32
        %add3A_49 = arith.addi %mul3A_30, %add3A_48 : i32
        %dma_wait3A_50 = arith.constant 0 : i32
        %dma_wait3A_51 = tpu.memref_slice %arg8[%add3A_49, %dma_wait3A_50] : memref<40x125xi32, #tpu.memory_space<vmem>> -> memref<1x125xi32, #tpu.memory_space<vmem>>
        %dma_wait3A_52 = tpu.memref_squeeze %dma_wait3A_51 : memref<1x125xi32, #tpu.memory_space<vmem>> -> memref<125xi32, #tpu.memory_space<vmem>>
        %dma_wait3A_53 = arith.constant 0 : i32
        %dma_wait3A_54 = arith.constant 0 : i32
        %dma_wait3A_55 = tpu.memref_slice %arg2[%dma_wait3A_53, %dma_wait3A_54] : memref<10000x128xf32, #tpu.memory_space<hbm>> -> memref<10000x128xf32, #tpu.memory_space<hbm>>
        tpu.wait_indirect_dma semaphore(%arg11 : memref<!tpu.dma_semaphore, #tpu.memory_space<semaphore_mem>>) src(%dma_wait3A_55 : memref<10000x128xf32, #tpu.memory_space<hbm>>) dst(%run_scoped3A_14 : memref<125x128xf32, #tpu.memory_space<vmem>>)
        "tpu.region"() ({
          %run_scoped3A_57 = tpu.sem_alloc : memref<!tpu.dma_semaphore, #tpu.memory_space<semaphore_mem>>
          %dma_start3A_58 = arith.constant 0 : i32
          %dma_start3A_59 = tpu.memref_slice %arg9[%add3A_49, %dma_start3A_58] : memref<40x125xi32, #tpu.memory_space<vmem>> -> memref<1x125xi32, #tpu.memory_space<vmem>>
          %dma_start3A_60 = tpu.memref_squeeze %dma_start3A_59 : memref<1x125xi32, #tpu.memory_space<vmem>> -> memref<125xi32, #tpu.memory_space<vmem>>
          %dma_start3A_61 = arith.constant 0 : i32
          %dma_start3A_62 = arith.constant 0 : i32
          %dma_start3A_63 = tpu.memref_slice %arg12[%dma_start3A_61, %dma_start3A_62] : memref<10240x128xf32, #tpu.memory_space<vmem_shared>> -> memref<10240x128xf32, #tpu.memory_space<vmem_shared>>
          tpu.enqueue_indirect_dma source(%run_scoped3A_14 : memref<125x128xf32, #tpu.memory_space<vmem>>) target(%dma_start3A_63 : memref<10240x128xf32, #tpu.memory_space<vmem_shared>>) offsets(%dma_start3A_60 : memref<125xi32, #tpu.memory_space<vmem>>) semaphore(%run_scoped3A_57 : memref<!tpu.dma_semaphore, #tpu.memory_space<semaphore_mem>>) {add = true}
          %dma_wait3A_64 = arith.constant 0 : i32
          %dma_wait3A_65 = tpu.memref_slice %arg9[%add3A_49, %dma_wait3A_64] : memref<40x125xi32, #tpu.memory_space<vmem>> -> memref<1x125xi32, #tpu.memory_space<vmem>>
          %dma_wait3A_66 = tpu.memref_squeeze %dma_wait3A_65 : memref<1x125xi32, #tpu.memory_space<vmem>> -> memref<125xi32, #tpu.memory_space<vmem>>
          %dma_wait3A_67 = arith.constant 0 : i32
          %dma_wait3A_68 = arith.constant 0 : i32
          %dma_wait3A_69 = tpu.memref_slice %arg12[%dma_wait3A_67, %dma_wait3A_68] : memref<10240x128xf32, #tpu.memory_space<vmem_shared>> -> memref<10240x128xf32, #tpu.memory_space<vmem_shared>>
          tpu.wait_indirect_dma semaphore(%run_scoped3A_57 : memref<!tpu.dma_semaphore, #tpu.memory_space<semaphore_mem>>) src(%run_scoped3A_14 : memref<125x128xf32, #tpu.memory_space<vmem>>) dst(%dma_wait3A_69 : memref<10240x128xf32, #tpu.memory_space<vmem_shared>>)
          tpu.yield
        }) : () -> ()
        %scan3A_56 = arith.constant 0 : i32
        scf.yield %scan3A_56 : i32
      }
      %scan3A_26 = arith.constant 20 : i32
      tpu.yield
    }) : () -> ()
    %barrier3A_13 = arith.constant 0 : index
    tpu.barrier barrier_id(%barrier3A_13)
    "tpu.region"() ({
      %run_scoped3A = tpu.sem_alloc : memref<!tpu.dma_semaphore, #tpu.memory_space<semaphore_mem>>
      %dma_start3A = arith.constant 0 : i32
      %dma_start3A_14 = tpu.memref_slice %arg7[%arg0, %mul3A_2, %dma_start3A] : memref<2x10240x128xf32, #tpu.memory_space<hbm>> -> memref<1x640x128xf32, #tpu.memory_space<hbm>>
      %dma_start3A_15 = tpu.memref_squeeze %dma_start3A_14 : memref<1x640x128xf32, #tpu.memory_space<hbm>> -> memref<640x128xf32, #tpu.memory_space<hbm>>
      %dma_start3A_16 = arith.constant 0 : i32
      %dma_start3A_17 = tpu.memref_slice %arg12[%mul3A_2, %dma_start3A_16] : memref<10240x128xf32, #tpu.memory_space<vmem_shared>> -> memref<640x128xf32, #tpu.memory_space<vmem_shared>>
      tpu.enqueue_dma source(%dma_start3A_17 : memref<640x128xf32, #tpu.memory_space<vmem_shared>>) target(%dma_start3A_15 : memref<640x128xf32, #tpu.memory_space<hbm>>) target_semaphore(%run_scoped3A : memref<!tpu.dma_semaphore, #tpu.memory_space<semaphore_mem>>)
      %dma_wait3A = arith.constant 0 : i32
      %dma_wait3A_18 = tpu.memref_slice %arg7[%arg0, %mul3A_2, %dma_wait3A] : memref<2x10240x128xf32, #tpu.memory_space<hbm>> -> memref<1x640x128xf32, #tpu.memory_space<hbm>>
      %dma_wait3A_19 = tpu.memref_squeeze %dma_wait3A_18 : memref<1x640x128xf32, #tpu.memory_space<hbm>> -> memref<640x128xf32, #tpu.memory_space<hbm>>
      %dma_wait3A_20 = arith.constant 0 : i32
      %dma_wait3A_21 = tpu.memref_slice %arg12[%mul3A_2, %dma_wait3A_20] : memref<10240x128xf32, #tpu.memory_space<vmem_shared>> -> memref<640x128xf32, #tpu.memory_space<vmem_shared>>
      tpu.wait_dma2 semaphore(%run_scoped3A : memref<!tpu.dma_semaphore, #tpu.memory_space<semaphore_mem>>) src(%dma_wait3A_21 : memref<640x128xf32, #tpu.memory_space<vmem_shared>>) dst(%dma_wait3A_19 : memref<640x128xf32, #tpu.memory_space<hbm>>)
      tpu.yield
    }) : () -> ()
    return
  }
}

module attributes {stable_mosaic.version = 14 : i64} {
  func.func @_prep_body(%arg0: i32, %arg1: memref<2048x128xf32, #tpu.memory_space<vmem>>, %arg2: memref<2048x128xf32, #tpu.memory_space<vmem>>, %arg3: memref<128x128xf32, #tpu.memory_space<vmem>>, %arg4: memref<128x128xf32, #tpu.memory_space<vmem>>, %arg5: memref<128x128xf32, #tpu.memory_space<vmem>>, %arg6: memref<128x128xf32, #tpu.memory_space<vmem>>, %arg7: memref<1x128xf32, #tpu.memory_space<vmem>>, %arg8: memref<2048x128xf32, #tpu.memory_space<vmem>>, %arg9: memref<2048x128xf32, #tpu.memory_space<vmem>>) attributes {dimension_semantics = [#tpu.dimension_semantics<arbitrary>], iteration_bounds = array<i64: 5>, scalar_prefetch = 0 : i64, scratch_operands = 0 : i64, tpu.core_type = #tpu.core_type<tc>, window_params = [{transform_indices = @transform_0, window_bounds = array<i64: 2048, 128>}, {transform_indices = @transform_1, window_bounds = array<i64: 2048, 128>}, {pipeline_mode = #tpu.pipeline_mode<synchronous>, transform_indices = @transform_2, window_bounds = array<i64: 128, 128>}, {pipeline_mode = #tpu.pipeline_mode<synchronous>, transform_indices = @transform_3, window_bounds = array<i64: 128, 128>}, {pipeline_mode = #tpu.pipeline_mode<synchronous>, transform_indices = @transform_4, window_bounds = array<i64: 128, 128>}, {pipeline_mode = #tpu.pipeline_mode<synchronous>, transform_indices = @transform_5, window_bounds = array<i64: 128, 128>}, {pipeline_mode = #tpu.pipeline_mode<synchronous>, transform_indices = @transform_6, window_bounds = array<i64: 1, 128>}, {transform_indices = @transform_7, window_bounds = array<i64: 2048, 128>}, {transform_indices = @transform_8, window_bounds = array<i64: 2048, 128>}]} {
    %get3A = arith.constant 0 : index
    %get3A_0 = arith.constant 0 : index
    %get3A_1 = vector.load %arg1[%get3A, %get3A_0] : memref<2048x128xf32, #tpu.memory_space<vmem>>, vector<2048x128xf32>
    %get3A_2 = arith.constant 0 : index
    %get3A_3 = arith.constant 0 : index
    %get3A_4 = vector.load %arg2[%get3A_2, %get3A_3] : memref<2048x128xf32, #tpu.memory_space<vmem>>, vector<2048x128xf32>
    %get3A_5 = arith.constant 0 : index
    %get3A_6 = arith.constant 0 : index
    %get3A_7 = vector.load %arg3[%get3A_5, %get3A_6] : memref<128x128xf32, #tpu.memory_space<vmem>>, vector<128x128xf32>
    %dot_general3A = arith.constant dense<0.000000e+00> : vector<2048x128xf32>
    %dot_general3A_8 = tpu.matmul %get3A_1, %get3A_7, %dot_general3A {dimension_numbers = #tpu.dot_dimension_numbers<[1], [0], [0], [1], [0, 0, 1, 1], [], []>, transpose_lhs_hint = false} : vector<2048x128xf32>, vector<128x128xf32>, vector<2048x128xf32> -> vector<2048x128xf32>
    %get3A_9 = arith.constant 0 : index
    %get3A_10 = arith.constant 0 : index
    %get3A_11 = vector.load %arg4[%get3A_9, %get3A_10] : memref<128x128xf32, #tpu.memory_space<vmem>>, vector<128x128xf32>
    %dot_general3A_12 = arith.constant dense<0.000000e+00> : vector<2048x128xf32>
    %dot_general3A_13 = tpu.matmul %get3A_4, %get3A_11, %dot_general3A_12 {dimension_numbers = #tpu.dot_dimension_numbers<[1], [0], [0], [1], [0, 0, 1, 1], [], []>, transpose_lhs_hint = false} : vector<2048x128xf32>, vector<128x128xf32>, vector<2048x128xf32> -> vector<2048x128xf32>
    %add3A = arith.addf %dot_general3A_8, %dot_general3A_13 : vector<2048x128xf32>
    %swap3A = arith.constant 0 : index
    %swap3A_14 = arith.constant 0 : index
    %swap3A_15 = vector.load %arg8[%swap3A, %swap3A_14] : memref<2048x128xf32, #tpu.memory_space<vmem>>, vector<2048x128xf32>
    tpu.vector_store %arg8[%swap3A, %swap3A_14], %add3A {strides = array<i32>} : memref<2048x128xf32, #tpu.memory_space<vmem>>, vector<2048x128xf32>,
    %get3A_16 = arith.constant 0 : index
    %get3A_17 = arith.constant 0 : index
    %get3A_18 = vector.load %arg5[%get3A_16, %get3A_17] : memref<128x128xf32, #tpu.memory_space<vmem>>, vector<128x128xf32>
    %dot_general3A_19 = arith.constant dense<0.000000e+00> : vector<2048x128xf32>
    %dot_general3A_20 = tpu.matmul %get3A_1, %get3A_18, %dot_general3A_19 {dimension_numbers = #tpu.dot_dimension_numbers<[1], [0], [0], [1], [0, 0, 1, 1], [], []>, transpose_lhs_hint = false} : vector<2048x128xf32>, vector<128x128xf32>, vector<2048x128xf32> -> vector<2048x128xf32>
    %get3A_21 = arith.constant 0 : index
    %get3A_22 = arith.constant 0 : index
    %get3A_23 = vector.load %arg6[%get3A_21, %get3A_22] : memref<128x128xf32, #tpu.memory_space<vmem>>, vector<128x128xf32>
    %dot_general3A_24 = arith.constant dense<0.000000e+00> : vector<2048x128xf32>
    %dot_general3A_25 = tpu.matmul %get3A_4, %get3A_23, %dot_general3A_24 {dimension_numbers = #tpu.dot_dimension_numbers<[1], [0], [0], [1], [0, 0, 1, 1], [], []>, transpose_lhs_hint = false} : vector<2048x128xf32>, vector<128x128xf32>, vector<2048x128xf32> -> vector<2048x128xf32>
    %add3A_26 = arith.addf %dot_general3A_20, %dot_general3A_25 : vector<2048x128xf32>
    %get3A_27 = arith.constant 0 : index
    %get3A_28 = arith.constant 0 : index
    %get3A_29 = vector.load %arg7[%get3A_27, %get3A_28] : memref<1x128xf32, #tpu.memory_space<vmem>>, vector<1x128xf32>
    %add3A_30 = vector.broadcast %get3A_29 : vector<1x128xf32> to vector<2048x128xf32>
    %add3A_31 = arith.addf %add3A_26, %add3A_30 : vector<2048x128xf32>
    %swap3A_32 = arith.constant 0 : index
    %swap3A_33 = arith.constant 0 : index
    %swap3A_34 = vector.load %arg9[%swap3A_32, %swap3A_33] : memref<2048x128xf32, #tpu.memory_space<vmem>>, vector<2048x128xf32>
    tpu.vector_store %arg9[%swap3A_32, %swap3A_33], %add3A_31 {strides = array<i32>} : memref<2048x128xf32, #tpu.memory_space<vmem>>, vector<2048x128xf32>,
    return
  }
  func.func @transform_0(%arg0: i32) -> (i32, i32) {
    %c0_i32 = arith.constant 0 : i32
    %c0_i32_0 = arith.constant 0 : i32
    return %arg0, %c0_i32 : i32, i32
  }
  func.func @transform_1(%arg0: i32) -> (i32, i32) {
    %c0_i32 = arith.constant 0 : i32
    %c0_i32_0 = arith.constant 0 : i32
    return %arg0, %c0_i32 : i32, i32
  }
  func.func @transform_2(%arg0: i32) -> (i32, i32) {
    %c0_i32 = arith.constant 0 : i32
    %c0_i32_0 = arith.constant 0 : i32
    %c0_i32_1 = arith.constant 0 : i32
    return %c0_i32, %c0_i32_0 : i32, i32
  }
  func.func @transform_3(%arg0: i32) -> (i32, i32) {
    %c0_i32 = arith.constant 0 : i32
    %c0_i32_0 = arith.constant 0 : i32
    %c0_i32_1 = arith.constant 0 : i32
    return %c0_i32, %c0_i32_0 : i32, i32
  }
  func.func @transform_4(%arg0: i32) -> (i32, i32) {
    %c0_i32 = arith.constant 0 : i32
    %c0_i32_0 = arith.constant 0 : i32
    %c0_i32_1 = arith.constant 0 : i32
    return %c0_i32, %c0_i32_0 : i32, i32
  }
  func.func @transform_5(%arg0: i32) -> (i32, i32) {
    %c0_i32 = arith.constant 0 : i32
    %c0_i32_0 = arith.constant 0 : i32
    %c0_i32_1 = arith.constant 0 : i32
    return %c0_i32, %c0_i32_0 : i32, i32
  }
  func.func @transform_6(%arg0: i32) -> (i32, i32) {
    %c0_i32 = arith.constant 0 : i32
    %c0_i32_0 = arith.constant 0 : i32
    %c0_i32_1 = arith.constant 0 : i32
    return %c0_i32, %c0_i32_0 : i32, i32
  }
  func.func @transform_7(%arg0: i32) -> (i32, i32) {
    %c0_i32 = arith.constant 0 : i32
    %c0_i32_0 = arith.constant 0 : i32
    return %arg0, %c0_i32 : i32, i32
  }
  func.func @transform_8(%arg0: i32) -> (i32, i32) {
    %c0_i32 = arith.constant 0 : i32
    %c0_i32_0 = arith.constant 0 : i32
    return %arg0, %c0_i32 : i32, i32
  }
}

module attributes {stable_mosaic.version = 14 : i64} {
  func.func @_gru_next_body(%arg0: i32, %arg1: memref<2048x128xf32, #tpu.memory_space<vmem>>, %arg2: memref<2048x128xf32, #tpu.memory_space<vmem>>, %arg3: memref<2x2048x128xf32, #tpu.memory_space<vmem>>, %arg4: memref<32x2048xf32, #tpu.memory_space<vmem>>, %arg5: memref<2048x128xf32, #tpu.memory_space<vmem>>, %arg6: memref<256x384xf32, #tpu.memory_space<vmem>>, %arg7: memref<128x384xf32, #tpu.memory_space<vmem>>, %arg8: memref<1x384xf32, #tpu.memory_space<vmem>>, %arg9: memref<1x384xf32, #tpu.memory_space<vmem>>, %arg10: memref<128x128xf32, #tpu.memory_space<vmem>>, %arg11: memref<128x128xf32, #tpu.memory_space<vmem>>, %arg12: memref<128x128xf32, #tpu.memory_space<vmem>>, %arg13: memref<128x128xf32, #tpu.memory_space<vmem>>, %arg14: memref<1x128xf32, #tpu.memory_space<vmem>>, %arg15: memref<2048x128xf32, #tpu.memory_space<vmem>>, %arg16: memref<2048x128xf32, #tpu.memory_space<vmem>>, %arg17: memref<2048x128xf32, #tpu.memory_space<vmem>>) attributes {dimension_semantics = [#tpu.dimension_semantics<arbitrary>], iteration_bounds = array<i64: 5>, scalar_prefetch = 0 : i64, scratch_operands = 0 : i64, tpu.core_type = #tpu.core_type<tc>, window_params = [{transform_indices = @transform_0, window_bounds = array<i64: 2048, 128>}, {transform_indices = @transform_1, window_bounds = array<i64: 2048, 128>}, {transform_indices = @transform_2, window_bounds = array<i64: 2, 2048, 128>}, {transform_indices = @transform_3, window_bounds = array<i64: 32, 2048>}, {transform_indices = @transform_4, window_bounds = array<i64: 2048, 128>}, {pipeline_mode = #tpu.pipeline_mode<synchronous>, transform_indices = @transform_5, window_bounds = array<i64: 256, 384>}, {pipeline_mode = #tpu.pipeline_mode<synchronous>, transform_indices = @transform_6, window_bounds = array<i64: 128, 384>}, {pipeline_mode = #tpu.pipeline_mode<synchronous>, transform_indices = @transform_7, window_bounds = array<i64: 1, 384>}, {pipeline_mode = #tpu.pipeline_mode<synchronous>, transform_indices = @transform_8, window_bounds = array<i64: 1, 384>}, {pipeline_mode = #tpu.pipeline_mode<synchronous>, transform_indices = @transform_9, window_bounds = array<i64: 128, 128>}, {pipeline_mode = #tpu.pipeline_mode<synchronous>, transform_indices = @transform_10, window_bounds = array<i64: 128, 128>}, {pipeline_mode = #tpu.pipeline_mode<synchronous>, transform_indices = @transform_11, window_bounds = array<i64: 128, 128>}, {pipeline_mode = #tpu.pipeline_mode<synchronous>, transform_indices = @transform_12, window_bounds = array<i64: 128, 128>}, {pipeline_mode = #tpu.pipeline_mode<synchronous>, transform_indices = @transform_13, window_bounds = array<i64: 1, 128>}, {transform_indices = @transform_14, window_bounds = array<i64: 2048, 128>}, {transform_indices = @transform_15, window_bounds = array<i64: 2048, 128>}, {transform_indices = @transform_16, window_bounds = array<i64: 2048, 128>}]} {
    %get3A = arith.constant 0 : index
    %get3A_0 = arith.constant 0 : index
    %get3A_1 = vector.load %arg1[%get3A, %get3A_0] : memref<2048x128xf32, #tpu.memory_space<vmem>>, vector<2048x128xf32>
    %get3A_2 = arith.constant 0 : index
    %get3A_3 = arith.constant 0 : index
    %get3A_4 = vector.load %arg2[%get3A_2, %get3A_3] : memref<2048x128xf32, #tpu.memory_space<vmem>>, vector<2048x128xf32>
    %get3A_5 = arith.constant 0 : index
    %get3A_6 = arith.constant 0 : index
    %get3A_7 = arith.constant 0 : index
    %get3A_8 = vector.load %arg3[%get3A_5, %get3A_6, %get3A_7] : memref<2x2048x128xf32, #tpu.memory_space<vmem>>, vector<2x2048x128xf32>
    %get3A_9 = arith.constant 0 : index
    %get3A_10 = arith.constant 0 : index
    %get3A_11 = vector.load %arg4[%get3A_9, %get3A_10] : memref<32x2048xf32, #tpu.memory_space<vmem>>, vector<32x2048xf32>
    %get3A_12 = arith.constant 0 : index
    %get3A_13 = arith.constant 0 : index
    %get3A_14 = vector.load %arg5[%get3A_12, %get3A_13] : memref<2048x128xf32, #tpu.memory_space<vmem>>, vector<2048x128xf32>
    %get3A_15 = arith.constant 0 : index
    %get3A_16 = arith.constant 0 : index
    %get3A_17 = vector.load %arg6[%get3A_15, %get3A_16] : memref<256x384xf32, #tpu.memory_space<vmem>>, vector<256x384xf32>
    %get3A_18 = arith.constant 0 : index
    %get3A_19 = arith.constant 0 : index
    %get3A_20 = vector.load %arg7[%get3A_18, %get3A_19] : memref<128x384xf32, #tpu.memory_space<vmem>>, vector<128x384xf32>
    %get3A_21 = arith.constant 0 : index
    %get3A_22 = arith.constant 0 : index
    %get3A_23 = vector.load %arg8[%get3A_21, %get3A_22] : memref<1x384xf32, #tpu.memory_space<vmem>>, vector<1x384xf32>
    %get3A_24 = arith.constant 0 : index
    %get3A_25 = arith.constant 0 : index
    %get3A_26 = vector.load %arg9[%get3A_24, %get3A_25] : memref<1x384xf32, #tpu.memory_space<vmem>>, vector<1x384xf32>
    %slice3A = vector.extract_strided_slice %get3A_8 {offsets = [0, 0, 0], sizes = [1, 2048, 128], strides = [1, 1, 1]} : vector<2x2048x128xf32> to vector<1x2048x128xf32>
    %squeeze3A = vector.shape_cast %slice3A : vector<1x2048x128xf32> to vector<2048x128xf32>
    %slice3A_27 = vector.extract_strided_slice %get3A_8 {offsets = [1, 0, 0], sizes = [1, 2048, 128], strides = [1, 1, 1]} : vector<2x2048x128xf32> to vector<1x2048x128xf32>
    %squeeze3A_28 = vector.shape_cast %slice3A_27 : vector<1x2048x128xf32> to vector<2048x128xf32>
    %add3A = arith.addf %squeeze3A, %squeeze3A_28 : vector<2048x128xf32>
    %broadcast_in_dim3A = arith.constant 1.000000e+00 : f32
    %broadcast_in_dim3A_29 = vector.broadcast %broadcast_in_dim3A : f32 to vector<32x1xf32>
    %dot_general3A = arith.constant dense<0.000000e+00> : vector<2048x1xf32>
    %dot_general3A_30 = tpu.matmul %get3A_11, %broadcast_in_dim3A_29, %dot_general3A {dimension_numbers = #tpu.dot_dimension_numbers<[0], [0], [1], [1], [0, 1, 1, 1], [], []>, transpose_lhs_hint = false} : vector<32x2048xf32>, vector<32x1xf32>, vector<2048x1xf32> -> vector<2048x1xf32>
    %max3A = arith.constant 1.000000e+00 : f32
    %max3A_31 = vector.broadcast %max3A : f32 to vector<2048x1xf32>
    %max3A_32 = arith.maximumf %dot_general3A_30, %max3A_31 : vector<2048x1xf32>
    %gt3A = arith.constant 0.000000e+00 : f32
    %gt3A_33 = vector.broadcast %gt3A : f32 to vector<2048x1xf32>
    %gt3A_34 = arith.cmpf ogt, %dot_general3A_30, %gt3A_33 : vector<2048x1xf32>
    %convert_element_type3A = arith.extui %gt3A_34 : vector<2048x1xi1> to vector<2048x1xi32>
    %convert_element_type3A_35 = arith.sitofp %convert_element_type3A : vector<2048x1xi32> to vector<2048x1xf32>
    %div3A = vector.broadcast %max3A_32 : vector<2048x1xf32> to vector<2048x128xf32>
    %div3A_36 = arith.divf %add3A, %div3A : vector<2048x128xf32>
    %mul3A = vector.broadcast %convert_element_type3A_35 : vector<2048x1xf32> to vector<2048x128xf32>
    %mul3A_37 = arith.mulf %mul3A, %get3A_14 : vector<2048x128xf32>
    %add3A_38 = arith.addf %div3A_36, %mul3A_37 : vector<2048x128xf32>
    %slice3A_39 = vector.extract_strided_slice %get3A_17 {offsets = [0, 0], sizes = [128, 384], strides = [1, 1]} : vector<256x384xf32> to vector<128x384xf32>
    %dot_general3A_40 = arith.constant dense<0.000000e+00> : vector<2048x384xf32>
    %dot_general3A_41 = tpu.matmul %get3A_1, %slice3A_39, %dot_general3A_40 {dimension_numbers = #tpu.dot_dimension_numbers<[1], [0], [0], [1], [0, 0, 1, 1], [], []>, transpose_lhs_hint = false} : vector<2048x128xf32>, vector<128x384xf32>, vector<2048x384xf32> -> vector<2048x384xf32>
    %slice3A_42 = vector.extract_strided_slice %get3A_17 {offsets = [128, 0], sizes = [128, 384], strides = [1, 1]} : vector<256x384xf32> to vector<128x384xf32>
    %dot_general3A_43 = arith.constant dense<0.000000e+00> : vector<2048x384xf32>
    %dot_general3A_44 = tpu.matmul %add3A_38, %slice3A_42, %dot_general3A_43 {dimension_numbers = #tpu.dot_dimension_numbers<[1], [0], [0], [1], [0, 0, 1, 1], [], []>, transpose_lhs_hint = false} : vector<2048x128xf32>, vector<128x384xf32>, vector<2048x384xf32> -> vector<2048x384xf32>
    %add3A_45 = arith.addf %dot_general3A_41, %dot_general3A_44 : vector<2048x384xf32>
    %add3A_46 = vector.broadcast %get3A_23 : vector<1x384xf32> to vector<2048x384xf32>
    %add3A_47 = arith.addf %add3A_45, %add3A_46 : vector<2048x384xf32>
    %dot_general3A_48 = arith.constant dense<0.000000e+00> : vector<2048x384xf32>
    %dot_general3A_49 = tpu.matmul %get3A_4, %get3A_20, %dot_general3A_48 {dimension_numbers = #tpu.dot_dimension_numbers<[1], [0], [0], [1], [0, 0, 1, 1], [], []>, transpose_lhs_hint = false} : vector<2048x128xf32>, vector<128x384xf32>, vector<2048x384xf32> -> vector<2048x384xf32>
    %add3A_50 = vector.broadcast %get3A_26 : vector<1x384xf32> to vector<2048x384xf32>
    %add3A_51 = arith.addf %dot_general3A_49, %add3A_50 : vector<2048x384xf32>
    %slice3A_52 = vector.extract_strided_slice %add3A_47 {offsets = [0, 0], sizes = [2048, 128], strides = [1, 1]} : vector<2048x384xf32> to vector<2048x128xf32>
    %slice3A_53 = vector.extract_strided_slice %add3A_51 {offsets = [0, 0], sizes = [2048, 128], strides = [1, 1]} : vector<2048x384xf32> to vector<2048x128xf32>
    %add3A_54 = arith.addf %slice3A_52, %slice3A_53 : vector<2048x128xf32>
    %logistic3A = arith.negf %add3A_54 : vector<2048x128xf32>
    %logistic3A_55 = math.exp %logistic3A : vector<2048x128xf32>
    %logistic3A_56 = arith.constant 1.000000e+00 : f32
    %logistic3A_57 = vector.broadcast %logistic3A_56 : f32 to vector<2048x128xf32>
    %logistic3A_58 = arith.addf %logistic3A_57, %logistic3A_55 : vector<2048x128xf32>
    %logistic3A_59 = arith.divf %logistic3A_57, %logistic3A_58 : vector<2048x128xf32>
    %slice3A_60 = vector.extract_strided_slice %add3A_47 {offsets = [0, 128], sizes = [2048, 128], strides = [1, 1]} : vector<2048x384xf32> to vector<2048x128xf32>
    %slice3A_61 = vector.extract_strided_slice %add3A_51 {offsets = [0, 128], sizes = [2048, 128], strides = [1, 1]} : vector<2048x384xf32> to vector<2048x128xf32>
    %add3A_62 = arith.addf %slice3A_60, %slice3A_61 : vector<2048x128xf32>
    %logistic3A_63 = arith.negf %add3A_62 : vector<2048x128xf32>
    %logistic3A_64 = math.exp %logistic3A_63 : vector<2048x128xf32>
    %logistic3A_65 = arith.constant 1.000000e+00 : f32
    %logistic3A_66 = vector.broadcast %logistic3A_65 : f32 to vector<2048x128xf32>
    %logistic3A_67 = arith.addf %logistic3A_66, %logistic3A_64 : vector<2048x128xf32>
    %logistic3A_68 = arith.divf %logistic3A_66, %logistic3A_67 : vector<2048x128xf32>
    %slice3A_69 = vector.extract_strided_slice %add3A_47 {offsets = [0, 256], sizes = [2048, 128], strides = [1, 1]} : vector<2048x384xf32> to vector<2048x128xf32>
    %slice3A_70 = vector.extract_strided_slice %add3A_51 {offsets = [0, 256], sizes = [2048, 128], strides = [1, 1]} : vector<2048x384xf32> to vector<2048x128xf32>
    %mul3A_71 = arith.mulf %logistic3A_59, %slice3A_70 : vector<2048x128xf32>
    %add3A_72 = arith.addf %slice3A_69, %mul3A_71 : vector<2048x128xf32>
    %tanh3A = math.tanh %add3A_72 : vector<2048x128xf32>
    %sub3A = arith.constant 1.000000e+00 : f32
    %sub3A_73 = vector.broadcast %sub3A : f32 to vector<2048x128xf32>
    %sub3A_74 = arith.subf %sub3A_73, %logistic3A_68 : vector<2048x128xf32>
    %mul3A_75 = arith.mulf %sub3A_74, %tanh3A : vector<2048x128xf32>
    %mul3A_76 = arith.mulf %logistic3A_68, %get3A_4 : vector<2048x128xf32>
    %add3A_77 = arith.addf %mul3A_75, %mul3A_76 : vector<2048x128xf32>
    %swap3A = arith.constant 0 : index
    %swap3A_78 = arith.constant 0 : index
    %swap3A_79 = vector.load %arg15[%swap3A, %swap3A_78] : memref<2048x128xf32, #tpu.memory_space<vmem>>, vector<2048x128xf32>
    tpu.vector_store %arg15[%swap3A, %swap3A_78], %add3A_77 {strides = array<i32>} : memref<2048x128xf32, #tpu.memory_space<vmem>>, vector<2048x128xf32>,
    %get3A_80 = arith.constant 0 : index
    %get3A_81 = arith.constant 0 : index
    %get3A_82 = vector.load %arg10[%get3A_80, %get3A_81] : memref<128x128xf32, #tpu.memory_space<vmem>>, vector<128x128xf32>
    %dot_general3A_83 = arith.constant dense<0.000000e+00> : vector<2048x128xf32>
    %dot_general3A_84 = tpu.matmul %get3A_1, %get3A_82, %dot_general3A_83 {dimension_numbers = #tpu.dot_dimension_numbers<[1], [0], [0], [1], [0, 0, 1, 1], [], []>, transpose_lhs_hint = false} : vector<2048x128xf32>, vector<128x128xf32>, vector<2048x128xf32> -> vector<2048x128xf32>
    %get3A_85 = arith.constant 0 : index
    %get3A_86 = arith.constant 0 : index
    %get3A_87 = vector.load %arg11[%get3A_85, %get3A_86] : memref<128x128xf32, #tpu.memory_space<vmem>>, vector<128x128xf32>
    %dot_general3A_88 = arith.constant dense<0.000000e+00> : vector<2048x128xf32>
    %dot_general3A_89 = tpu.matmul %add3A_77, %get3A_87, %dot_general3A_88 {dimension_numbers = #tpu.dot_dimension_numbers<[1], [0], [0], [1], [0, 0, 1, 1], [], []>, transpose_lhs_hint = false} : vector<2048x128xf32>, vector<128x128xf32>, vector<2048x128xf32> -> vector<2048x128xf32>
    %add3A_90 = arith.addf %dot_general3A_84, %dot_general3A_89 : vector<2048x128xf32>
    %swap3A_91 = arith.constant 0 : index
    %swap3A_92 = arith.constant 0 : index
    %swap3A_93 = vector.load %arg16[%swap3A_91, %swap3A_92] : memref<2048x128xf32, #tpu.memory_space<vmem>>, vector<2048x128xf32>
    tpu.vector_store %arg16[%swap3A_91, %swap3A_92], %add3A_90 {strides = array<i32>} : memref<2048x128xf32, #tpu.memory_space<vmem>>, vector<2048x128xf32>,
    %get3A_94 = arith.constant 0 : index
    %get3A_95 = arith.constant 0 : index
    %get3A_96 = vector.load %arg12[%get3A_94, %get3A_95] : memref<128x128xf32, #tpu.memory_space<vmem>>, vector<128x128xf32>
    %dot_general3A_97 = arith.constant dense<0.000000e+00> : vector<2048x128xf32>
    %dot_general3A_98 = tpu.matmul %get3A_1, %get3A_96, %dot_general3A_97 {dimension_numbers = #tpu.dot_dimension_numbers<[1], [0], [0], [1], [0, 0, 1, 1], [], []>, transpose_lhs_hint = false} : vector<2048x128xf32>, vector<128x128xf32>, vector<2048x128xf32> -> vector<2048x128xf32>
    %get3A_99 = arith.constant 0 : index
    %get3A_100 = arith.constant 0 : index
    %get3A_101 = vector.load %arg13[%get3A_99, %get3A_100] : memref<128x128xf32, #tpu.memory_space<vmem>>, vector<128x128xf32>
    %dot_general3A_102 = arith.constant dense<0.000000e+00> : vector<2048x128xf32>
    %dot_general3A_103 = tpu.matmul %add3A_77, %get3A_101, %dot_general3A_102 {dimension_numbers = #tpu.dot_dimension_numbers<[1], [0], [0], [1], [0, 0, 1, 1], [], []>, transpose_lhs_hint = false} : vector<2048x128xf32>, vector<128x128xf32>, vector<2048x128xf32> -> vector<2048x128xf32>
    %add3A_104 = arith.addf %dot_general3A_98, %dot_general3A_103 : vector<2048x128xf32>
    %get3A_105 = arith.constant 0 : index
    %get3A_106 = arith.constant 0 : index
    %get3A_107 = vector.load %arg14[%get3A_105, %get3A_106] : memref<1x128xf32, #tpu.memory_space<vmem>>, vector<1x128xf32>
    %add3A_108 = vector.broadcast %get3A_107 : vector<1x128xf32> to vector<2048x128xf32>
    %add3A_109 = arith.addf %add3A_104, %add3A_108 : vector<2048x128xf32>
    %swap3A_110 = arith.constant 0 : index
    %swap3A_111 = arith.constant 0 : index
    %swap3A_112 = vector.load %arg17[%swap3A_110, %swap3A_111] : memref<2048x128xf32, #tpu.memory_space<vmem>>, vector<2048x128xf32>
    tpu.vector_store %arg17[%swap3A_110, %swap3A_111], %add3A_109 {strides = array<i32>} : memref<2048x128xf32, #tpu.memory_space<vmem>>, vector<2048x128xf32>,
    return
  }
  func.func @transform_0(%arg0: i32) -> (i32, i32) {
    %c0_i32 = arith.constant 0 : i32
    %c0_i32_0 = arith.constant 0 : i32
    return %arg0, %c0_i32 : i32, i32
  }
  func.func @transform_1(%arg0: i32) -> (i32, i32) {
    %c0_i32 = arith.constant 0 : i32
    %c0_i32_0 = arith.constant 0 : i32
    return %arg0, %c0_i32 : i32, i32
  }
  func.func @transform_2(%arg0: i32) -> (i32, i32, i32) {
    %c0_i32 = arith.constant 0 : i32
    %c0_i32_0 = arith.constant 0 : i32
    %c0_i32_1 = arith.constant 0 : i32
    return %c0_i32, %arg0, %c0_i32_0 : i32, i32, i32
  }
  func.func @transform_3(%arg0: i32) -> (i32, i32) {
    %c0_i32 = arith.constant 0 : i32
    %c0_i32_0 = arith.constant 0 : i32
    return %c0_i32, %arg0 : i32, i32
  }
  func.func @transform_4(%arg0: i32) -> (i32, i32) {
    %c0_i32 = arith.constant 0 : i32
    %c0_i32_0 = arith.constant 0 : i32
    return %arg0, %c0_i32 : i32, i32
  }
  func.func @transform_5(%arg0: i32) -> (i32, i32) {
    %c0_i32 = arith.constant 0 : i32
    %c0_i32_0 = arith.constant 0 : i32
    %c0_i32_1 = arith.constant 0 : i32
    return %c0_i32, %c0_i32_0 : i32, i32
  }
  func.func @transform_6(%arg0: i32) -> (i32, i32) {
    %c0_i32 = arith.constant 0 : i32
    %c0_i32_0 = arith.constant 0 : i32
    %c0_i32_1 = arith.constant 0 : i32
    return %c0_i32, %c0_i32_0 : i32, i32
  }
  func.func @transform_7(%arg0: i32) -> (i32, i32) {
    %c0_i32 = arith.constant 0 : i32
    %c0_i32_0 = arith.constant 0 : i32
    %c0_i32_1 = arith.constant 0 : i32
    return %c0_i32, %c0_i32_0 : i32, i32
  }
  func.func @transform_8(%arg0: i32) -> (i32, i32) {
    %c0_i32 = arith.constant 0 : i32
    %c0_i32_0 = arith.constant 0 : i32
    %c0_i32_1 = arith.constant 0 : i32
    return %c0_i32, %c0_i32_0 : i32, i32
  }
  func.func @transform_9(%arg0: i32) -> (i32, i32) {
    %c0_i32 = arith.constant 0 : i32
    %c0_i32_0 = arith.constant 0 : i32
    %c0_i32_1 = arith.constant 0 : i32
    return %c0_i32, %c0_i32_0 : i32, i32
  }
  func.func @transform_10(%arg0: i32) -> (i32, i32) {
    %c0_i32 = arith.constant 0 : i32
    %c0_i32_0 = arith.constant 0 : i32
    %c0_i32_1 = arith.constant 0 : i32
    return %c0_i32, %c0_i32_0 : i32, i32
  }
  func.func @transform_11(%arg0: i32) -> (i32, i32) {
    %c0_i32 = arith.constant 0 : i32
    %c0_i32_0 = arith.constant 0 : i32
    %c0_i32_1 = arith.constant 0 : i32
    return %c0_i32, %c0_i32_0 : i32, i32
  }
  func.func @transform_12(%arg0: i32) -> (i32, i32) {
    %c0_i32 = arith.constant 0 : i32
    %c0_i32_0 = arith.constant 0 : i32
    %c0_i32_1 = arith.constant 0 : i32
    return %c0_i32, %c0_i32_0 : i32, i32
  }
  func.func @transform_13(%arg0: i32) -> (i32, i32) {
    %c0_i32 = arith.constant 0 : i32
    %c0_i32_0 = arith.constant 0 : i32
    %c0_i32_1 = arith.constant 0 : i32
    return %c0_i32, %c0_i32_0 : i32, i32
  }
  func.func @transform_14(%arg0: i32) -> (i32, i32) {
    %c0_i32 = arith.constant 0 : i32
    %c0_i32_0 = arith.constant 0 : i32
    return %arg0, %c0_i32 : i32, i32
  }
  func.func @transform_15(%arg0: i32) -> (i32, i32) {
    %c0_i32 = arith.constant 0 : i32
    %c0_i32_0 = arith.constant 0 : i32
    return %arg0, %c0_i32 : i32, i32
  }
  func.func @transform_16(%arg0: i32) -> (i32, i32) {
    %c0_i32 = arith.constant 0 : i32
    %c0_i32_0 = arith.constant 0 : i32
    return %arg0, %c0_i32 : i32, i32
  }
}

module attributes {stable_mosaic.version = 14 : i64} {
  func.func @_gru_last_body(%arg0: i32, %arg1: memref<2048x128xf32, #tpu.memory_space<vmem>>, %arg2: memref<2048x128xf32, #tpu.memory_space<vmem>>, %arg3: memref<2x2048x128xf32, #tpu.memory_space<vmem>>, %arg4: memref<32x2048xf32, #tpu.memory_space<vmem>>, %arg5: memref<2048x128xf32, #tpu.memory_space<vmem>>, %arg6: memref<256x384xf32, #tpu.memory_space<vmem>>, %arg7: memref<128x384xf32, #tpu.memory_space<vmem>>, %arg8: memref<1x384xf32, #tpu.memory_space<vmem>>, %arg9: memref<1x384xf32, #tpu.memory_space<vmem>>, %arg10: memref<2048x128xf32, #tpu.memory_space<vmem>>) attributes {dimension_semantics = [#tpu.dimension_semantics<arbitrary>], iteration_bounds = array<i64: 5>, scalar_prefetch = 0 : i64, scratch_operands = 0 : i64, tpu.core_type = #tpu.core_type<tc>, window_params = [{transform_indices = @transform_0, window_bounds = array<i64: 2048, 128>}, {transform_indices = @transform_1, window_bounds = array<i64: 2048, 128>}, {transform_indices = @transform_2, window_bounds = array<i64: 2, 2048, 128>}, {transform_indices = @transform_3, window_bounds = array<i64: 32, 2048>}, {transform_indices = @transform_4, window_bounds = array<i64: 2048, 128>}, {pipeline_mode = #tpu.pipeline_mode<synchronous>, transform_indices = @transform_5, window_bounds = array<i64: 256, 384>}, {pipeline_mode = #tpu.pipeline_mode<synchronous>, transform_indices = @transform_6, window_bounds = array<i64: 128, 384>}, {pipeline_mode = #tpu.pipeline_mode<synchronous>, transform_indices = @transform_7, window_bounds = array<i64: 1, 384>}, {pipeline_mode = #tpu.pipeline_mode<synchronous>, transform_indices = @transform_8, window_bounds = array<i64: 1, 384>}, {transform_indices = @transform_9, window_bounds = array<i64: 2048, 128>}]} {
    %get3A = arith.constant 0 : index
    %get3A_0 = arith.constant 0 : index
    %get3A_1 = vector.load %arg1[%get3A, %get3A_0] : memref<2048x128xf32, #tpu.memory_space<vmem>>, vector<2048x128xf32>
    %get3A_2 = arith.constant 0 : index
    %get3A_3 = arith.constant 0 : index
    %get3A_4 = vector.load %arg2[%get3A_2, %get3A_3] : memref<2048x128xf32, #tpu.memory_space<vmem>>, vector<2048x128xf32>
    %get3A_5 = arith.constant 0 : index
    %get3A_6 = arith.constant 0 : index
    %get3A_7 = arith.constant 0 : index
    %get3A_8 = vector.load %arg3[%get3A_5, %get3A_6, %get3A_7] : memref<2x2048x128xf32, #tpu.memory_space<vmem>>, vector<2x2048x128xf32>
    %get3A_9 = arith.constant 0 : index
    %get3A_10 = arith.constant 0 : index
    %get3A_11 = vector.load %arg4[%get3A_9, %get3A_10] : memref<32x2048xf32, #tpu.memory_space<vmem>>, vector<32x2048xf32>
    %get3A_12 = arith.constant 0 : index
    %get3A_13 = arith.constant 0 : index
    %get3A_14 = vector.load %arg5[%get3A_12, %get3A_13] : memref<2048x128xf32, #tpu.memory_space<vmem>>, vector<2048x128xf32>
    %get3A_15 = arith.constant 0 : index
    %get3A_16 = arith.constant 0 : index
    %get3A_17 = vector.load %arg6[%get3A_15, %get3A_16] : memref<256x384xf32, #tpu.memory_space<vmem>>, vector<256x384xf32>
    %get3A_18 = arith.constant 0 : index
    %get3A_19 = arith.constant 0 : index
    %get3A_20 = vector.load %arg7[%get3A_18, %get3A_19] : memref<128x384xf32, #tpu.memory_space<vmem>>, vector<128x384xf32>
    %get3A_21 = arith.constant 0 : index
    %get3A_22 = arith.constant 0 : index
    %get3A_23 = vector.load %arg8[%get3A_21, %get3A_22] : memref<1x384xf32, #tpu.memory_space<vmem>>, vector<1x384xf32>
    %get3A_24 = arith.constant 0 : index
    %get3A_25 = arith.constant 0 : index
    %get3A_26 = vector.load %arg9[%get3A_24, %get3A_25] : memref<1x384xf32, #tpu.memory_space<vmem>>, vector<1x384xf32>
    %slice3A = vector.extract_strided_slice %get3A_8 {offsets = [0, 0, 0], sizes = [1, 2048, 128], strides = [1, 1, 1]} : vector<2x2048x128xf32> to vector<1x2048x128xf32>
    %squeeze3A = vector.shape_cast %slice3A : vector<1x2048x128xf32> to vector<2048x128xf32>
    %slice3A_27 = vector.extract_strided_slice %get3A_8 {offsets = [1, 0, 0], sizes = [1, 2048, 128], strides = [1, 1, 1]} : vector<2x2048x128xf32> to vector<1x2048x128xf32>
    %squeeze3A_28 = vector.shape_cast %slice3A_27 : vector<1x2048x128xf32> to vector<2048x128xf32>
    %add3A = arith.addf %squeeze3A, %squeeze3A_28 : vector<2048x128xf32>
    %broadcast_in_dim3A = arith.constant 1.000000e+00 : f32
    %broadcast_in_dim3A_29 = vector.broadcast %broadcast_in_dim3A : f32 to vector<32x1xf32>
    %dot_general3A = arith.constant dense<0.000000e+00> : vector<2048x1xf32>
    %dot_general3A_30 = tpu.matmul %get3A_11, %broadcast_in_dim3A_29, %dot_general3A {dimension_numbers = #tpu.dot_dimension_numbers<[0], [0], [1], [1], [0, 1, 1, 1], [], []>, transpose_lhs_hint = false} : vector<32x2048xf32>, vector<32x1xf32>, vector<2048x1xf32> -> vector<2048x1xf32>
    %max3A = arith.constant 1.000000e+00 : f32
    %max3A_31 = vector.broadcast %max3A : f32 to vector<2048x1xf32>
    %max3A_32 = arith.maximumf %dot_general3A_30, %max3A_31 : vector<2048x1xf32>
    %gt3A = arith.constant 0.000000e+00 : f32
    %gt3A_33 = vector.broadcast %gt3A : f32 to vector<2048x1xf32>
    %gt3A_34 = arith.cmpf ogt, %dot_general3A_30, %gt3A_33 : vector<2048x1xf32>
    %convert_element_type3A = arith.extui %gt3A_34 : vector<2048x1xi1> to vector<2048x1xi32>
    %convert_element_type3A_35 = arith.sitofp %convert_element_type3A : vector<2048x1xi32> to vector<2048x1xf32>
    %div3A = vector.broadcast %max3A_32 : vector<2048x1xf32> to vector<2048x128xf32>
    %div3A_36 = arith.divf %add3A, %div3A : vector<2048x128xf32>
    %mul3A = vector.broadcast %convert_element_type3A_35 : vector<2048x1xf32> to vector<2048x128xf32>
    %mul3A_37 = arith.mulf %mul3A, %get3A_14 : vector<2048x128xf32>
    %add3A_38 = arith.addf %div3A_36, %mul3A_37 : vector<2048x128xf32>
    %slice3A_39 = vector.extract_strided_slice %get3A_17 {offsets = [0, 0], sizes = [128, 384], strides = [1, 1]} : vector<256x384xf32> to vector<128x384xf32>
    %dot_general3A_40 = arith.constant dense<0.000000e+00> : vector<2048x384xf32>
    %dot_general3A_41 = tpu.matmul %get3A_1, %slice3A_39, %dot_general3A_40 {dimension_numbers = #tpu.dot_dimension_numbers<[1], [0], [0], [1], [0, 0, 1, 1], [], []>, transpose_lhs_hint = false} : vector<2048x128xf32>, vector<128x384xf32>, vector<2048x384xf32> -> vector<2048x384xf32>
    %slice3A_42 = vector.extract_strided_slice %get3A_17 {offsets = [128, 0], sizes = [128, 384], strides = [1, 1]} : vector<256x384xf32> to vector<128x384xf32>
    %dot_general3A_43 = arith.constant dense<0.000000e+00> : vector<2048x384xf32>
    %dot_general3A_44 = tpu.matmul %add3A_38, %slice3A_42, %dot_general3A_43 {dimension_numbers = #tpu.dot_dimension_numbers<[1], [0], [0], [1], [0, 0, 1, 1], [], []>, transpose_lhs_hint = false} : vector<2048x128xf32>, vector<128x384xf32>, vector<2048x384xf32> -> vector<2048x384xf32>
    %add3A_45 = arith.addf %dot_general3A_41, %dot_general3A_44 : vector<2048x384xf32>
    %add3A_46 = vector.broadcast %get3A_23 : vector<1x384xf32> to vector<2048x384xf32>
    %add3A_47 = arith.addf %add3A_45, %add3A_46 : vector<2048x384xf32>
    %dot_general3A_48 = arith.constant dense<0.000000e+00> : vector<2048x384xf32>
    %dot_general3A_49 = tpu.matmul %get3A_4, %get3A_20, %dot_general3A_48 {dimension_numbers = #tpu.dot_dimension_numbers<[1], [0], [0], [1], [0, 0, 1, 1], [], []>, transpose_lhs_hint = false} : vector<2048x128xf32>, vector<128x384xf32>, vector<2048x384xf32> -> vector<2048x384xf32>
    %add3A_50 = vector.broadcast %get3A_26 : vector<1x384xf32> to vector<2048x384xf32>
    %add3A_51 = arith.addf %dot_general3A_49, %add3A_50 : vector<2048x384xf32>
    %slice3A_52 = vector.extract_strided_slice %add3A_47 {offsets = [0, 0], sizes = [2048, 128], strides = [1, 1]} : vector<2048x384xf32> to vector<2048x128xf32>
    %slice3A_53 = vector.extract_strided_slice %add3A_51 {offsets = [0, 0], sizes = [2048, 128], strides = [1, 1]} : vector<2048x384xf32> to vector<2048x128xf32>
    %add3A_54 = arith.addf %slice3A_52, %slice3A_53 : vector<2048x128xf32>
    %logistic3A = arith.negf %add3A_54 : vector<2048x128xf32>
    %logistic3A_55 = math.exp %logistic3A : vector<2048x128xf32>
    %logistic3A_56 = arith.constant 1.000000e+00 : f32
    %logistic3A_57 = vector.broadcast %logistic3A_56 : f32 to vector<2048x128xf32>
    %logistic3A_58 = arith.addf %logistic3A_57, %logistic3A_55 : vector<2048x128xf32>
    %logistic3A_59 = arith.divf %logistic3A_57, %logistic3A_58 : vector<2048x128xf32>
    %slice3A_60 = vector.extract_strided_slice %add3A_47 {offsets = [0, 128], sizes = [2048, 128], strides = [1, 1]} : vector<2048x384xf32> to vector<2048x128xf32>
    %slice3A_61 = vector.extract_strided_slice %add3A_51 {offsets = [0, 128], sizes = [2048, 128], strides = [1, 1]} : vector<2048x384xf32> to vector<2048x128xf32>
    %add3A_62 = arith.addf %slice3A_60, %slice3A_61 : vector<2048x128xf32>
    %logistic3A_63 = arith.negf %add3A_62 : vector<2048x128xf32>
    %logistic3A_64 = math.exp %logistic3A_63 : vector<2048x128xf32>
    %logistic3A_65 = arith.constant 1.000000e+00 : f32
    %logistic3A_66 = vector.broadcast %logistic3A_65 : f32 to vector<2048x128xf32>
    %logistic3A_67 = arith.addf %logistic3A_66, %logistic3A_64 : vector<2048x128xf32>
    %logistic3A_68 = arith.divf %logistic3A_66, %logistic3A_67 : vector<2048x128xf32>
    %slice3A_69 = vector.extract_strided_slice %add3A_47 {offsets = [0, 256], sizes = [2048, 128], strides = [1, 1]} : vector<2048x384xf32> to vector<2048x128xf32>
    %slice3A_70 = vector.extract_strided_slice %add3A_51 {offsets = [0, 256], sizes = [2048, 128], strides = [1, 1]} : vector<2048x384xf32> to vector<2048x128xf32>
    %mul3A_71 = arith.mulf %logistic3A_59, %slice3A_70 : vector<2048x128xf32>
    %add3A_72 = arith.addf %slice3A_69, %mul3A_71 : vector<2048x128xf32>
    %tanh3A = math.tanh %add3A_72 : vector<2048x128xf32>
    %sub3A = arith.constant 1.000000e+00 : f32
    %sub3A_73 = vector.broadcast %sub3A : f32 to vector<2048x128xf32>
    %sub3A_74 = arith.subf %sub3A_73, %logistic3A_68 : vector<2048x128xf32>
    %mul3A_75 = arith.mulf %sub3A_74, %tanh3A : vector<2048x128xf32>
    %mul3A_76 = arith.mulf %logistic3A_68, %get3A_4 : vector<2048x128xf32>
    %add3A_77 = arith.addf %mul3A_75, %mul3A_76 : vector<2048x128xf32>
    %swap3A = arith.constant 0 : index
    %swap3A_78 = arith.constant 0 : index
    %swap3A_79 = vector.load %arg10[%swap3A, %swap3A_78] : memref<2048x128xf32, #tpu.memory_space<vmem>>, vector<2048x128xf32>
    tpu.vector_store %arg10[%swap3A, %swap3A_78], %add3A_77 {strides = array<i32>} : memref<2048x128xf32, #tpu.memory_space<vmem>>, vector<2048x128xf32>,
    return
  }
  func.func @transform_0(%arg0: i32) -> (i32, i32) {
    %c0_i32 = arith.constant 0 : i32
    %c0_i32_0 = arith.constant 0 : i32
    return %arg0, %c0_i32 : i32, i32
  }
  func.func @transform_1(%arg0: i32) -> (i32, i32) {
    %c0_i32 = arith.constant 0 : i32
    %c0_i32_0 = arith.constant 0 : i32
    return %arg0, %c0_i32 : i32, i32
  }
  func.func @transform_2(%arg0: i32) -> (i32, i32, i32) {
    %c0_i32 = arith.constant 0 : i32
    %c0_i32_0 = arith.constant 0 : i32
    %c0_i32_1 = arith.constant 0 : i32
    return %c0_i32, %arg0, %c0_i32_0 : i32, i32, i32
  }
  func.func @transform_3(%arg0: i32) -> (i32, i32) {
    %c0_i32 = arith.constant 0 : i32
    %c0_i32_0 = arith.constant 0 : i32
    return %c0_i32, %arg0 : i32, i32
  }
  func.func @transform_4(%arg0: i32) -> (i32, i32) {
    %c0_i32 = arith.constant 0 : i32
    %c0_i32_0 = arith.constant 0 : i32
    return %arg0, %c0_i32 : i32, i32
  }
  func.func @transform_5(%arg0: i32) -> (i32, i32) {
    %c0_i32 = arith.constant 0 : i32
    %c0_i32_0 = arith.constant 0 : i32
    %c0_i32_1 = arith.constant 0 : i32
    return %c0_i32, %c0_i32_0 : i32, i32
  }
  func.func @transform_6(%arg0: i32) -> (i32, i32) {
    %c0_i32 = arith.constant 0 : i32
    %c0_i32_0 = arith.constant 0 : i32
    %c0_i32_1 = arith.constant 0 : i32
    return %c0_i32, %c0_i32_0 : i32, i32
  }
  func.func @transform_7(%arg0: i32) -> (i32, i32) {
    %c0_i32 = arith.constant 0 : i32
    %c0_i32_0 = arith.constant 0 : i32
    %c0_i32_1 = arith.constant 0 : i32
    return %c0_i32, %c0_i32_0 : i32, i32
  }
  func.func @transform_8(%arg0: i32) -> (i32, i32) {
    %c0_i32 = arith.constant 0 : i32
    %c0_i32_0 = arith.constant 0 : i32
    %c0_i32_1 = arith.constant 0 : i32
    return %c0_i32, %c0_i32_0 : i32, i32
  }
  func.func @transform_9(%arg0: i32) -> (i32, i32) {
    %c0_i32 = arith.constant 0 : i32
    %c0_i32_0 = arith.constant 0 : i32
    return %arg0, %c0_i32 : i32, i32
  }
}

</mosaic_0001>

<sc_bundles>
// kernel: kernel.10.cloned.1.call-start
scs
__scs_entry_jumppad:
0x0: {  	(pc) =	sbr.rel $0x88, $3  }
0x1: {  	(tag) =	ssettag $0x0;
	lr =	simm.s32 $0x1  }
0x2: {  	[smem:$0x3F98] =	sst lr;
	_ =	strace $0xD0000000  }
0x3: {  	_ = 	snop  }
0x4: {  	_ = 	snop  }
0x5: {  	_ = 	snop  }
0x6: {  	_ = 	snop  }
0x7: {  	_ = 	snop  }
__scs_overlays_trampoline_lowered:
0x8: {  	[smem:$0x3FA7] =	sst s0  }
0x9: {  	[smem:$0x3FA8] =	sst s1  }
0xa: {  	[smem:$0x3FA9] =	sst s2  }
0xb: {  	[smem:$0x3FAA] =	sst s3  }
0xc: {  	[smem:$0x3FAB] =	sst s4  }
0xd: {  	[smem:$0x3FAC] =	sst s5  }
0xe: {  	[smem:$0x3FAD] =	sst s6  }
0xf: {  	[smem:$0x3FAE] =	sst s7  }
0x10: {  	[smem:$0x3FAF] =	sst s8  }
0x11: {  	[smem:$0x3FB0] =	sst s9;
	s0 =	simm.s32 @!p0 $0x0  }
0x12: {  	s1 =	sld [smem:$0x3F96];
	s0 =	simm.s32 @p0 $0x1  }
0x13: {  	[smem:$0x3FB1] =	sst s0;
	s0 =	simm.s32 @!p1 $0x0  }
0x14: {  	s2 =	sld [smem:$0x3F95];
	s0 =	simm.s32 @p1 $0x1  }
0x15: {  	[smem:$0x3FB2] =	sst s0;
	s0 =	simm.s32 @!p2 $0x0  }
0x16: {  	s3 =	sld [smem:$0x3FDB];
	s0 =	simm.s32 @p2 $0x1  }
0x17: {  	s4 =	simm.s32 $0x1BF5;
	[smem:$0x3FB4] =	sst s0  }
0x18: {  	s0 =	sld [smem:$0x3F97];
	_ =	swait.ge [sflag:s4], $0x0  }
0x19: {  	s7 =	sld [smem:$0x3F98]  }
0x1a: {  	s8 =	sadd.s32 $0xFFFFE003, lr  }
0x1b: {  	s9 =	sadd.s32 $0xFFFFFEF7, lr;
	s5 =	simm.s32 $0xFFFFFFFF;
	p2 =	slt.u32 s8, $0xFFFFF086  }
0x1c: {  	p1 =	slt.u32 s9, $0xF7A;
	s5 =	simm.s32 @!p2 $0x0  }
0x1d: {  	s5 =	simm.s32 @p1 $0x1;
	p0 =	seq.s32 s7, s2  }
0x1e: {  	s7 =	smul.u32 @!p0 $0xF7A, s2;
	p2 =	seq.s32 @!p0 s5, $0x0  }
0x1f: {  	s9 =	smul.u32 $0xF7A, s1;
	s8 =	simm.s32 @!p0 $0x1BF5;
	p2 =	por !p2, p0  }
0x20: {  	[sflag:s8] =	ssyncset.s32 @!p0 $0xFFFFF086;
	s6 =	sadd.s32 @!p0 s3, s7;
	s7 =	simm.s32 @!p0 $0x108  }
0x21: {  	s3 =	sadd.s32 s3, s9;
	s6 =	sadd.s32 @!p0 $0x88, s6;
	s7 =	simm.s32 @p2 $0x1082  }
0x22: {  	[simem:s7], [sflag:s8] =	dma.local @!p0 [hbm:s6], $0xF7A  }
0x23: {  	s9 =	sor.u32 $0xD0000000, s2;
	s6 =	simm.s32 $0x108;
	_ =	swait.ge @!p0 [sflag:s8], $0x0  }
0x24: {  	s3 =	sadd.s32 $0x88, s3;
	s6 =	simm.s32 @!p1 $0x1082;
	[sflag:s4] =	ssyncset.s32 $0xFFFFF086  }
0x25: {  	[simem:s6], [sflag:s4] =	dma.local [hbm:s3], $0xF7A  }
0x26: {  	[smem:$0x3F98] =	sst s1;
	(tag) =	ssettag s2;
	_ =	strace s9  }
0x27: {  	s1 =	sld [smem:$0x3FA8]  }
0x28: {  	s2 =	sld [smem:$0x3FA9]  }
0x29: {  	s4 =	sld [smem:$0x3FAB]  }
0x2a: {  	p0 =	seq.s32 s5, $0x0;
	s5 =	sld [smem:$0x3FAC]  }
0x2b: {  	s6 =	sld [smem:$0x3FAD]  }
0x2c: {  	s7 =	sld [smem:$0x3FAE]  }
0x2d: {  	s3 =	simm.s32 $0x108;
	s8 =	sld [smem:$0x3FAF]  }
0x2e: {  	s3 =	simm.s32 @!p0 $0x1082;
	s9 =	sld [smem:$0x3FB0]  }
0x2f: {  	lr =	sadd.s32 s0, s3;
	s0 =	sld [smem:$0x3FA7]  }
0x30: {  	s3 =	sld [smem:$0x3FAA]  }
0x31: {  	[smem:$0x3FB3] =	sst s10  }
0x32: {  	s10 =	sld [smem:$0x3FB1];
	_ =	sdelay $0x3  }
0x33: {  	p0 =	seq.s32 s10, $0x1;
	s10 =	sld [smem:$0x3FB3];
	_ =	sdelay $0x3  }
0x34: {  	[smem:$0x3FB3] =	sst s10  }
0x35: {  	s10 =	sld [smem:$0x3FB2];
	_ =	sdelay $0x3  }
0x36: {  	p1 =	seq.s32 s10, $0x1;
	s10 =	sld [smem:$0x3FB3];
	_ =	sdelay $0x3  }
0x37: {  	[smem:$0x3FB3] =	sst s10  }
0x38: {  	s10 =	sld [smem:$0x3FB4]  }
0x39: {  	_ = 	snop;
	(pc) =	sbr.ind lr, $3  }
0x3a: {  	_ = 	snop  }
0x3b: {  	_ = 	snop  }
0x3c: {  	p2 =	seq.s32 s10, $0x1;
	s10 =	sld [smem:$0x3FB3]  }
0x3d: {  	_ =	shalt  }
0x3e: {  	_ =	shalt  }
0x3f: {  	_ =	shalt  }
0x40: {  	_ =	shalt  }
0x41: {  	_ =	shalt  }
0x42: {  	_ =	shalt  }
0x43: {  	_ =	shalt  }
0x44: {  	_ =	shalt  }
0x45: {  	_ =	shalt  }
0x46: {  	_ =	shalt  }
0x47: {  	_ =	shalt  }
0x48: {  	_ =	shalt  }
0x49: {  	_ =	shalt  }
0x4a: {  	_ =	shalt  }
0x4b: {  	_ =	shalt  }
0x4c: {  	_ =	shalt  }
0x4d: {  	_ =	shalt  }
0x4e: {  	_ =	shalt  }
0x4f: {  	_ =	shalt  }
0x50: {  	_ =	shalt  }
0x51: {  	_ =	shalt  }
0x52: {  	_ =	shalt  }
0x53: {  	_ =	shalt  }
0x54: {  	_ =	shalt  }
0x55: {  	_ =	shalt  }
0x56: {  	_ =	shalt  }
0x57: {  	_ =	shalt  }
0x58: {  	_ =	shalt  }
0x59: {  	_ =	shalt  }
0x5a: {  	_ =	shalt  }
0x5b: {  	_ =	shalt  }
0x5c: {  	_ =	shalt  }
0x5d: {  	_ =	shalt  }
0x5e: {  	_ =	shalt  }
0x5f: {  	_ =	shalt  }
0x60: {  	_ =	shalt  }
0x61: {  	_ =	shalt  }
0x62: {  	_ =	shalt  }
0x63: {  	_ =	shalt  }
0x64: {  	_ =	shalt  }
0x65: {  	_ =	shalt  }
0x66: {  	_ =	shalt  }
0x67: {  	_ =	shalt  }
0x68: {  	_ =	shalt  }
0x69: {  	_ =	shalt  }
0x6a: {  	_ =	shalt  }
0x6b: {  	_ =	shalt  }
0x6c: {  	_ =	shalt  }
0x6d: {  	_ =	shalt  }
0x6e: {  	_ =	shalt  }
0x6f: {  	_ =	shalt  }
0x70: {  	_ =	shalt  }
0x71: {  	_ =	shalt  }
0x72: {  	_ =	shalt  }
0x73: {  	_ =	shalt  }
0x74: {  	_ =	shalt  }
0x75: {  	_ =	shalt  }
0x76: {  	_ =	shalt  }
0x77: {  	_ =	shalt  }
0x78: {  	_ =	shalt  }
0x79: {  	_ =	shalt  }
0x7a: {  	_ =	shalt  }
0x7b: {  	_ =	shalt  }
0x7c: {  	_ =	shalt  }
0x7d: {  	_ =	shalt  }
0x7e: {  	_ =	shalt  }
0x7f: {  	_ =	shalt  }
0x80: {  	_ =	shalt  }
0x81: {  	_ =	shalt  }
0x82: {  	_ =	shalt  }
0x83: {  	_ =	shalt  }
0x84: {  	_ =	shalt  }
0x85: {  	_ =	shalt  }
0x86: {  	_ =	shalt  }
0x87: {  	_ =	shalt  }
.Lfunc_end0:
.L_simem_size_0:
called_computation.1_lowered:
.L_overlay_start_0:
0x88: {  	s2 =	sld [smem:$0x3FD9]  }
0x89: {  	s3 =	sld [smem:$0x3FFE];
	_ =	sdelay $0x1  }
0x8a: {  	s1 =	srdreg.scid  }
0x8b: {  	s0 =	sand.u32 $0x1, s1  }
0x8c: {  	s17 =	sshll.u32 s0, $0xA;
	s2 =	sadd.s32 s3, s2  }
0x8d: {  	s2 =	sadd.s32 s2, s17  }
0x8e: {  	[smem:$0x3FBF] =	sst s2  }
0x8f: {  	_ = 	snop  }
0x90: {  	s2 =	sld [smem:$0x3FD0];
	(tm) =	ssettm $0x1  }
0x91: {  	s18 =	sld [smem:$0x3FFB];
	_ =	sdelay $0x3  }
0x92: {  	_ =	strace s18  }
0x93: {  	s3 =	sld [smem:$0x3FFC];
	_ =	sdelay $0x3  }
0x94: {  	_ =	strace s3  }
0x95: {  	s3 =	sld [smem:$0x3FFD];
	_ =	sdelay $0x3  }
0x96: {  	_ =	strace s3  }
0x97: {  	_ =	strace $0x8FFFFFFF  }
0x98: {  	s19 =	sld [smem:$0x3FDB];
	_ =	sdelay $0x1  }
0x99: {  	s4 =	simm.s32 $_scs_section_size  }
0x9a: {  	s5 =	simm.s32 $_size__tile_overlayer_lowered;
	s6 =	simm.s32 $_tile_overlayer_lowered  }
0x9b: {  	s22 =	simm.s32 $0x1BFF;
	s21 =	sshll.u32 s6, $0x1;
	s3 =	sadd.s32 s4, s19  }
0x9c: {  	s7 =	simm.s32 $0x0;
	s20 =	sshll.u32 s5, $0x1;
	s5 =	sadd.s32 s21, s3  }
0x9d: {  	[timem:s7], [sflag:s22] =	dma.local [hbm:s5], s20  }
0x9e: {  	_ =	swait.ge [sflag:s22], s20  }
0x9f: {  	s4 =	ssub.s32 $0x0, s20;
	[sflag:s22] =	ssyncset.done $0x0  }
0xa0: {  	[sflag:s22] =	ssyncadd.s32 s4;
	_ =	sdelay $0x1  }
0xa1: {  	s23 =	simm.s32 $0x1B8B  }
0xa2: {  	_ =	swait.ge [sflag:s23], $0x1  }
0xa3: {  	[sflag:s23] =	ssyncset.done $0x0  }
0xa4: {  	s25 =	simm.s32 $0x1B8E;
	s24 =	sld [smem:$0x3FFE];
	[sflag:s23] =	ssyncadd.s32 $0xFFFFFFFF  }
0xa5: {  	s26 =	simm.s32 $execute0_lowered;
	[smem:$0x3FD2] =	sst s25  }
0xa6: {  	s5 =	sshll.u32 s26, $0x1;
	_ =	strace $0x80000049;
	[dreg:$0x1] =	wrdreg $0xFFFFFFFF  }
0xa7: {  	s28 =	simm.s32 $_size_execute0_lowered;
	s3 =	sadd.s32 s3, s5;
	[dreg:$0x0] =	wrdreg $0x0  }
0xa8: {  	s5 =	sshll.u32 s28, $0x1;
	[dreg:$0x2] =	wrdreg s3  }
0xa9: {  	[dreg:$0x3] =	wrdreg s5  }
0xaa: {  	[dreg:$0x4] =	wrdreg $0xC0  }
0xab: {  	_ =	task [dreg:s7], $0x5FFFF  }
0xac: {  	[dreg:$0x1] =	wrdreg $0xFFFFFFFF  }
0xad: {  	[dreg:$0x0] =	wrdreg $0x60  }
0xae: {  	[dreg:$0x2] =	wrdreg s2  }
0xaf: {  	[dreg:$0x3] =	wrdreg s24  }
0xb0: {  	[dreg:$0x4] =	wrdreg $0x28000  }
0xb1: {  	[dreg:$0x5] =	wrdreg $0x9  }
0xb2: {  	_ =	task.clear_ibuf [dreg:s7], $0x6FFFF;
	_ =	strace $0x90000049  }
0xb3: {  	s29 =	simm.s32 $0x9;
	_ =	strace $0x8000004B  }
0xb4: {  	_ =	swait.ge [sflag:s29], $0x1  }
0xb5: {  	[sflag:s29] =	ssyncadd.s32 $0xFFFFFFFF  }
0xb6: {  	_ =	strace $0x9000004B  }
0xb7: {  	_ =	sfence  }
0xb8: {  	s30 =	sld [smem:$0x0];
	_ =	sdelay $0x2  }
0xb9: {  	s31 =	sshll.u32 s1, $0xD;
	s1 =	sshrl.u32 s1, $0x2  }
0xba: {  	s3 =	sand.u32 $0x4000, s31;
	s1 =	sadd.s32 s1, s30  }
0xbb: {  	s0 =	sor.u32 s3, s0;
	s1 =	sshll.u32 s1, $0x11  }
0xbc: {  	s0 =	sor.u32 s1, s0  }
0xbd: {  	s0 =	sadd.s32 $0x8F2B, s0  }
0xbe: {  	[sflag:s0] =	ssyncadd.remote.s32 $0x1  }
0xbf: {  	_ =	sfence.sel $0xFFFF  }
0xc0: {  	[dreg:$0x0] =	wrdreg $0xFFFFFFFF;
	(pc) =	sbr.abs _section_cstart, $3  }
0xc1: {  	[dreg:$0x1] =	wrdreg $0xFFFFFFFF  }
0xc2: {  	_ =	task.clear_ibuf [dreg:s7], $0x2FFFF;
	_ =	strace $0x9FFFFFFF  }
0xc3: {  	(tm) =	ssettm $0x7FFFFFFF  }
tec
execute0_lowered:
.L_overlay_start_1:
0x0: {  	(tag) =	ssettag $0x1  }
0x1: {  	s1 =	rddreg [dreg:$0x0]  }
0x2: {  	s0 =	srdreg.scid;
	s6 =	rddreg [dreg:$0x1]  }
0x3: {  	s3 =	rddreg [dreg:$0x2];
	s4 =	simm.s32 $0x0;
	s18 =	simm.s32 $0x7D  }
0x4: {  	s19 =	simm.s32 $0x16800;
	s20 =	simm.s32 $0x1A680;
	s21 =	simm.s32 $0x1  }
0x5: {  	s22 =	simm.s32 $0x2;
	s23 =	simm.s32 $0x1380;
	s24 =	simm.s32 $0x2700  }
0x6: {  	s25 =	simm.s32 $0x2780;
	s5 =	sand.u32 $0x1, s0;
	s0 =	stileid.u32  }
0x7: {  	s26 =	simm.s32 $0x0;
	[smem:$0x7FF] =	sst s4;
	s8 =	smul.u32 $0x140000, s5  }
0x8: {  	s2 =	sshll.u32 s5, $0x4;
	s9 =	smul.u32 $0x14000, s0;
	_ =	strace $0x8000004A  }
0x9: {  	s31 =	ssub.s32 $0x2, s5;
	s10 =	smul.u32 $0x50000, s0;
	s5 =	sadd.s32 $0x38400, s6  }
0xa: {  	s12 =	sshll.u32 s0, $0x6;
	s2 =	sor.u32 s0, s2;
	s11 =	sshrl.u32 s31, $0x1  }
0xb: {  	s12 =	sor.u32 $0x1C03, s12;
	s7 =	smul.u32 $0x280, s2;
	s8 =	sadd.s32 s9, s8  }
0xc: {  	s9 =	ssub.s32 s31, s11;
	s10 =	sshrl.u32 s10, $0x2;
	s11 =	simm.s32 $0x1400  }
0xd: {  	s8 =	sshrl.u32 s8, $0x3;
	s13 =	sadd.s32 s10, s3;
	s9 =	smax.u32 s9, $0x1  }
0xe: {  	s10 =	simm.s32 $0x3;
	s7 =	sadd.s32 s7, s6;
	s8 =	sadd.s32 s8, s6  }
0xf: {  	s14 =	sadd.s32 $0x4000, s13;
	s15 =	sadd.s32 $0x8000, s13;
	s16 =	sadd.s32 $0xC000, s13  }
0x10: {  	s17 =	sadd.s32 $0x10000, s13;
	s13 =	sshrl.u32 s13, $0x3;
	s6 =	sadd.s32 $0x7200, s7  }
0x11: {  	s7 =	sadd.s32 $0xC200, s7;
	s8 =	sadd.s32 $0x38C00, s8;
	s14 =	sshrl.u32 s14, $0x3  }
0x12: {  	s15 =	sshrl.u32 s15, $0x3;
	s16 =	sshrl.u32 s16, $0x3;
	s17 =	sshrl.u32 s17, $0x3  }
.LBB2_1:
0x13: {  	[tilespmem:s4], [sflag:$0x3] =	stream.linear.gather [hbm4b:s6+s4], $0x1400, $0x38;
	[tilespmem:$0x1E500] =	vst v63  }
0x14: {  	_ =	swait.ge [sflag:s10], $0x1400  }
0x15: {  	[sflag:s10] =	ssyncset.done $0x0  }
0x16: {  	[sflag:s10] =	ssyncadd.s32 $0xFFFFEC00  }
0x17: {  	[tilespmem:s11], [sflag:$0x3] =	stream.linear.gather [hbm4b:s7+s4], $0x1400, $0x38;
	[tilespmem:$0x1E500] =	vst v63  }
0x18: {  	_ =	swait.ge [sflag:s10], $0x1400  }
0x19: {  	[sflag:s10] =	ssyncset.done $0x0  }
0x1a: {  	[sflag:s10] =	ssyncadd.s32 $0xFFFFEC00  }
0x1b: {  	[spmem:s13], [sflag:s12] =	dma.local [hbm:s5], $0x800  }
0x1c: {  	_ =	swait.ge [sflag:s10], $0x800  }
0x1d: {  	[sflag:s10] =	ssyncset.done $0x0  }
0x1e: {  	[sflag:s10] =	ssyncadd.s32 $0xFFFFF800  }
0x1f: {  	[spmem:s14], [sflag:s12] =	dma.local [hbm:s5], $0x800  }
0x20: {  	_ =	swait.ge [sflag:s10], $0x800  }
0x21: {  	[sflag:s10] =	ssyncset.done $0x0  }
0x22: {  	[sflag:s10] =	ssyncadd.s32 $0xFFFFF800  }
0x23: {  	[spmem:s15], [sflag:s12] =	dma.local [hbm:s5], $0x800  }
0x24: {  	_ =	swait.ge [sflag:s10], $0x800  }
0x25: {  	[sflag:s10] =	ssyncset.done $0x0  }
0x26: {  	[sflag:s10] =	ssyncadd.s32 $0xFFFFF800  }
0x27: {  	[spmem:s16], [sflag:s12] =	dma.local [hbm:s5], $0x800  }
0x28: {  	_ =	swait.ge [sflag:s10], $0x800  }
0x29: {  	[sflag:s10] =	ssyncset.done $0x0  }
0x2a: {  	[sflag:s10] =	ssyncadd.s32 $0xFFFFF800  }
0x2b: {  	[spmem:s17], [sflag:s12] =	dma.local [hbm:s5], $0x800  }
0x2c: {  	_ =	swait.ge [sflag:s10], $0x800  }
0x2d: {  	[sflag:s10] =	ssyncset.done $0x0  }
0x2e: {  	[sflag:s10] =	ssyncadd.s32 $0xFFFFF800  }
0x2f: {  	[bflag:$0x0] =	sbarrier.arrive $0xFFFF  }
0x30: {  	[tilespmem:s19], [sflag:$0x1] =	stream.indirect.gather [hbm4b:s1+s18], $0x80, s4, s18, $0xb8;
	[tilespmem:$0x1E500] =	vst v63  }
0x31: {  	s28 =	simm.s32 $0x80  }
0x32: {  	[tilespmem:s20], [sflag:$0x2] =	stream.indirect.gather [hbm4b:s1+s18], $0x80, s28, s18, $0xb8;
	[tilespmem:$0x1E500] =	vst v63  }
0x33: {  	_ =	swait.ge [sflag:s21], $0x3E80  }
0x34: {  	[sflag:s21] =	ssyncset.done $0x0  }
0x35: {  	s28 =	simm.s32 $0x1400;
	[sflag:s21] =	ssyncadd.s32 $0xFFFFC180  }
0x36: {  	[spmem:s3] =	stream.indirect.scatter.add.f32 [tilespmem:s19], [sflag:$0x3], $0x80, s28, s18, $0xb8;
	[tilespmem:$0x1E500] =	vst v63  }
0x37: {  	_ =	swait.ge [sflag:s10], $0x3E80  }
0x38: {  	[sflag:s10] =	ssyncset.done $0x0  }
0x39: {  	s28 =	simm.s32 $0x100;
	[sflag:s10] =	ssyncadd.s32 $0xFFFFC180  }
0x3a: {  	[tilespmem:s19], [sflag:$0x1] =	stream.indirect.gather [hbm4b:s1+s18], $0x80, s28, s18, $0xb8;
	[tilespmem:$0x1E500] =	vst v63  }
0x3b: {  	_ =	swait.ge [sflag:s22], $0x3E80  }
0x3c: {  	[sflag:s22] =	ssyncset.done $0x0  }
0x3d: {  	s28 =	simm.s32 $0x1480;
	[sflag:s22] =	ssyncadd.s32 $0xFFFFC180  }
0x3e: {  	[spmem:s3] =	stream.indirect.scatter.add.f32 [tilespmem:s20], [sflag:$0x3], $0x80, s28, s18, $0xb8;
	[tilespmem:$0x1E500] =	vst v63  }
0x3f: {  	_ =	swait.ge [sflag:s10], $0x3E80  }
0x40: {  	s29 =	simm.s32 $0x800;
	s28 =	simm.s32 $0x100;
	[sflag:s10] =	ssyncset.done $0x0  }
.LBB2_2:
0x41: {  	s30 =	sadd.s32 $0x80, s28  }
0x42: {  	[sflag:s10] =	ssyncadd.s32 $0xFFFFC180;
	s31 =	smov.u32 s29;
	s2 =	sadd.s32 $0x400, s29  }
0x43: {  	[tilespmem:s20], [sflag:$0x2] =	stream.indirect.gather [hbm4b:s1+s18], $0x80, s30, s18, $0xb8;
	[tilespmem:$0x1E500] =	vst v63  }
0x44: {  	p0 =	sne.s32 s29, $0x4800;
	_ =	swait.ge [sflag:s21], $0x3E80  }
0x45: {  	[sflag:s21] =	ssyncset.done $0x0  }
0x46: {  	s29 =	sadd.s32 $0x1400, s28;
	[sflag:s21] =	ssyncadd.s32 $0xFFFFC180  }
0x47: {  	[spmem:s3] =	stream.indirect.scatter.add.f32 [tilespmem:s19], [sflag:$0x3], $0x80, s29, s18, $0xb8;
	[tilespmem:$0x1E500] =	vst v63  }
0x48: {  	_ =	swait.ge [sflag:s10], $0x3E80  }
0x49: {  	[sflag:s10] =	ssyncset.done $0x0  }
0x4a: {  	s29 =	sadd.s32 $0x100, s28;
	[sflag:s10] =	ssyncadd.s32 $0xFFFFC180  }
0x4b: {  	[tilespmem:s19], [sflag:$0x1] =	stream.indirect.gather [hbm4b:s1+s18], $0x80, s29, s18, $0xb8;
	[tilespmem:$0x1E500] =	vst v63  }
0x4c: {  	_ =	swait.ge [sflag:s22], $0x3E80  }
.Ltmp0:
0x4d: {  	[sflag:s22] =	ssyncset.done $0x0;
	(pc) =	sbr.rel @p0 .LBB2_2-.Ltmp0, $4  }
0x4e: {  	s28 =	sadd.s32 $0x1480, s28;
	[sflag:s22] =	ssyncadd.s32 $0xFFFFC180  }
0x4f: {  	[spmem:s3] =	stream.indirect.scatter.add.f32 [tilespmem:s20], [sflag:$0x3], $0x80, s28, s18, $0xb8;
	[tilespmem:$0x1E500] =	vst v63  }
0x50: {  	_ =	swait.ge [sflag:s10], $0x3E80  }
0x51: {  	s29 =	smov.u32 s2;
	s28 =	sshra.s32 s31, $0x2;
	[sflag:s10] =	ssyncset.done $0x0  }
0x52: {  	s2 =	sadd.s32 $0x80, s28;
	[sflag:s10] =	ssyncadd.s32 $0xFFFFC180  }
0x53: {  	[tilespmem:s20], [sflag:$0x2] =	stream.indirect.gather [hbm4b:s1+s18], $0x80, s2, s18, $0xb8;
	[tilespmem:$0x1E500] =	vst v63  }
0x54: {  	_ =	swait.ge [sflag:s21], $0x3E80  }
0x55: {  	[sflag:s21] =	ssyncset.done $0x0  }
0x56: {  	s29 =	sadd.s32 $0x1400, s28;
	[sflag:s21] =	ssyncadd.s32 $0xFFFFC180  }
0x57: {  	[spmem:s3] =	stream.indirect.scatter.add.f32 [tilespmem:s19], [sflag:$0x3], $0x80, s29, s18, $0xb8;
	[tilespmem:$0x1E500] =	vst v63  }
0x58: {  	_ =	swait.ge [sflag:s10], $0x3E80  }
0x59: {  	[sflag:s10] =	ssyncset.done $0x0  }
0x5a: {  	s30 =	sadd.s32 $0x100, s28;
	[sflag:s10] =	ssyncadd.s32 $0xFFFFC180  }
0x5b: {  	[tilespmem:s19], [sflag:$0x1] =	stream.indirect.gather [hbm4b:s1+s18], $0x80, s30, s18, $0xb8;
	[tilespmem:$0x1E500] =	vst v63  }
0x5c: {  	_ =	swait.ge [sflag:s22], $0x3E80  }
0x5d: {  	[sflag:s22] =	ssyncset.done $0x0  }
0x5e: {  	s31 =	sadd.s32 $0x1480, s28;
	[sflag:s22] =	ssyncadd.s32 $0xFFFFC180  }
0x5f: {  	[spmem:s3] =	stream.indirect.scatter.add.f32 [tilespmem:s20], [sflag:$0x3], $0x80, s31, s18, $0xb8;
	[tilespmem:$0x1E500] =	vst v63  }
0x60: {  	_ =	swait.ge [sflag:s10], $0x3E80  }
0x61: {  	[sflag:s10] =	ssyncset.done $0x0  }
0x62: {  	[sflag:s10] =	ssyncadd.s32 $0xFFFFC180  }
0x63: {  	[tilespmem:s20], [sflag:$0x2] =	stream.indirect.gather [hbm4b:s1+s18], $0x80, s23, s18, $0xb8;
	[tilespmem:$0x1E500] =	vst v63  }
0x64: {  	_ =	swait.ge [sflag:s21], $0x3E80  }
0x65: {  	[sflag:s21] =	ssyncset.done $0x0  }
0x66: {  	[sflag:s21] =	ssyncadd.s32 $0xFFFFC180  }
0x67: {  	[spmem:s3] =	stream.indirect.scatter.add.f32 [tilespmem:s19], [sflag:$0x3], $0x80, s24, s18, $0xb8;
	[tilespmem:$0x1E500] =	vst v63  }
0x68: {  	_ =	swait.ge [sflag:s10], $0x3E80  }
0x69: {  	[sflag:s10] =	ssyncset.done $0x0  }
0x6a: {  	[sflag:s10] =	ssyncadd.s32 $0xFFFFC180  }
0x6b: {  	_ =	swait.ge [sflag:s22], $0x3E80  }
0x6c: {  	[sflag:s22] =	ssyncset.done $0x0  }
0x6d: {  	[sflag:s22] =	ssyncadd.s32 $0xFFFFC180  }
0x6e: {  	[spmem:s3] =	stream.indirect.scatter.add.f32 [tilespmem:s20], [sflag:$0x3], $0x80, s25, s18, $0xb8;
	[tilespmem:$0x1E500] =	vst v63  }
0x6f: {  	_ =	swait.ge [sflag:s10], $0x3E80  }
0x70: {  	s26 =	sadd.s32 $0x1, s26;
	[sflag:s10] =	ssyncset.done $0x0  }
0x71: {  	p0 =	sne.s32 s26, s9;
	[sflag:s10] =	ssyncadd.s32 $0xFFFFC180  }
.Ltmp1:
0x72: {  	[bflag:$0x0] =	sbarrier.arrive $0xFFFF;
	(pc) =	sbr.rel @p0 .LBB2_1-.Ltmp1, $4  }
0x73: {  	[hbm:s8], [sflag:s12] =	dma.local [spmem:s13], $0x2800  }
0x74: {  	_ =	swait.ge [sflag:s10], $0x2800  }
0x75: {  	[sflag:s10] =	ssyncset.done $0x0  }
0x76: {  	[sflag:s10] =	ssyncadd.s32 $0xFFFFD800  }
0x77: {  	_ =	sfence.sel $0x180000  }
0x78: {  	[bflag:$0x0] =	sbarrier.arrive $0xFFFF  }
0x79: {  	_ =	strace $0x9000004A  }
0x7a: {  	[bflag:$0x2] =	sbarrier.arrive $0xFFFF  }
0x7b: {  	p0 =	sne.s32 s0, $0x0;
	s0 =	rddreg [dreg:$0x3]  }
0x7c: {  	s0 =	sadd.s32 @!p0 $0x100000, s0  }
0x7d: {  	[sflag:s0] =	ssyncadd.tile.s32 @!p0 $0x1;
	_ =	shalt  }
.Lfunc_end2:
_tile_overlayer_lowered:
.L_overlay_start_2:
0x7e: {  	(tag) =	ssettag $0x2  }
0x7f: {  	s0 =	rddreg [dreg:$0x0];
	s2 =	stileid.u32  }
0x80: {  	s1 =	rddreg [dreg:$0x1];
	p0 =	sne.s32 s2, $0x0  }
0x81: {  	s3 =	rddreg [dreg:$0x2];
	[bflag:$0x3] =	sbarrier.arrive $0xFFFF;
	s2 =	simm.s32 @!p0 $0x1C03  }
0x82: {  	[timem:s3], [sflag:s2] =	dma.local @!p0 [hbm:s0], s1  }
0x83: {  	s0 =	simm.s32 @!p0 $0x3  }
0x84: {  	_ =	swait.ge @!p0 [sflag:s0], s1  }
0x85: {  	s1 =	ssub.s32 @!p0 $0x0, s1;
	[sflag:s0] =	ssyncset.done @!p0 $0x0  }
0x86: {  	[sflag:s0] =	ssyncadd.s32 @!p0 s1  }
0x87: {  	[bflag:$0x3] =	sbarrier.arrive $0xFFFF  }
0x88: {  	_ =	shalt  }

// kernel: kernel.7.cloned.1.call-start
scs
__scs_entry_jumppad:
0x0: {  	(pc) =	sbr.rel $0x88, $3  }
0x1: {  	(tag) =	ssettag $0x0;
	lr =	simm.s32 $0x1  }
0x2: {  	[smem:$0x3F98] =	sst lr;
	_ =	strace $0xD0000000  }
0x3: {  	_ = 	snop  }
0x4: {  	_ = 	snop  }
0x5: {  	_ = 	snop  }
0x6: {  	_ = 	snop  }
0x7: {  	_ = 	snop  }
__scs_overlays_trampoline_lowered:
0x8: {  	[smem:$0x3FA7] =	sst s0  }
0x9: {  	[smem:$0x3FA8] =	sst s1  }
0xa: {  	[smem:$0x3FA9] =	sst s2  }
0xb: {  	[smem:$0x3FAA] =	sst s3  }
0xc: {  	[smem:$0x3FAB] =	sst s4  }
0xd: {  	[smem:$0x3FAC] =	sst s5  }
0xe: {  	[smem:$0x3FAD] =	sst s6  }
0xf: {  	[smem:$0x3FAE] =	sst s7  }
0x10: {  	[smem:$0x3FAF] =	sst s8  }
0x11: {  	[smem:$0x3FB0] =	sst s9;
	s0 =	simm.s32 @!p0 $0x0  }
0x12: {  	s1 =	sld [smem:$0x3F96];
	s0 =	simm.s32 @p0 $0x1  }
0x13: {  	[smem:$0x3FB1] =	sst s0;
	s0 =	simm.s32 @!p1 $0x0  }
0x14: {  	s2 =	sld [smem:$0x3F95];
	s0 =	simm.s32 @p1 $0x1  }
0x15: {  	[smem:$0x3FB2] =	sst s0;
	s0 =	simm.s32 @!p2 $0x0  }
0x16: {  	s3 =	sld [smem:$0x3FDB];
	s0 =	simm.s32 @p2 $0x1  }
0x17: {  	s4 =	simm.s32 $0x1BF5;
	[smem:$0x3FB4] =	sst s0  }
0x18: {  	s0 =	sld [smem:$0x3F97];
	_ =	swait.ge [sflag:s4], $0x0  }
0x19: {  	s7 =	sld [smem:$0x3F98]  }
0x1a: {  	s8 =	sadd.s32 $0xFFFFE003, lr  }
0x1b: {  	s9 =	sadd.s32 $0xFFFFFEF7, lr;
	s5 =	simm.s32 $0xFFFFFFFF;
	p2 =	slt.u32 s8, $0xFFFFF086  }
0x1c: {  	p1 =	slt.u32 s9, $0xF7A;
	s5 =	simm.s32 @!p2 $0x0  }
0x1d: {  	s5 =	simm.s32 @p1 $0x1;
	p0 =	seq.s32 s7, s2  }
0x1e: {  	s7 =	smul.u32 @!p0 $0xF7A, s2;
	p2 =	seq.s32 @!p0 s5, $0x0  }
0x1f: {  	s9 =	smul.u32 $0xF7A, s1;
	s8 =	simm.s32 @!p0 $0x1BF5;
	p2 =	por !p2, p0  }
0x20: {  	[sflag:s8] =	ssyncset.s32 @!p0 $0xFFFFF086;
	s6 =	sadd.s32 @!p0 s3, s7;
	s7 =	simm.s32 @!p0 $0x108  }
0x21: {  	s3 =	sadd.s32 s3, s9;
	s6 =	sadd.s32 @!p0 $0x88, s6;
	s7 =	simm.s32 @p2 $0x1082  }
0x22: {  	[simem:s7], [sflag:s8] =	dma.local @!p0 [hbm:s6], $0xF7A  }
0x23: {  	s9 =	sor.u32 $0xD0000000, s2;
	s6 =	simm.s32 $0x108;
	_ =	swait.ge @!p0 [sflag:s8], $0x0  }
0x24: {  	s3 =	sadd.s32 $0x88, s3;
	s6 =	simm.s32 @!p1 $0x1082;
	[sflag:s4] =	ssyncset.s32 $0xFFFFF086  }
0x25: {  	[simem:s6], [sflag:s4] =	dma.local [hbm:s3], $0xF7A  }
0x26: {  	[smem:$0x3F98] =	sst s1;
	(tag) =	ssettag s2;
	_ =	strace s9  }
0x27: {  	s1 =	sld [smem:$0x3FA8]  }
0x28: {  	s2 =	sld [smem:$0x3FA9]  }
0x29: {  	s4 =	sld [smem:$0x3FAB]  }
0x2a: {  	p0 =	seq.s32 s5, $0x0;
	s5 =	sld [smem:$0x3FAC]  }
0x2b: {  	s6 =	sld [smem:$0x3FAD]  }
0x2c: {  	s7 =	sld [smem:$0x3FAE]  }
0x2d: {  	s3 =	simm.s32 $0x108;
	s8 =	sld [smem:$0x3FAF]  }
0x2e: {  	s3 =	simm.s32 @!p0 $0x1082;
	s9 =	sld [smem:$0x3FB0]  }
0x2f: {  	lr =	sadd.s32 s0, s3;
	s0 =	sld [smem:$0x3FA7]  }
0x30: {  	s3 =	sld [smem:$0x3FAA]  }
0x31: {  	[smem:$0x3FB3] =	sst s10  }
0x32: {  	s10 =	sld [smem:$0x3FB1];
	_ =	sdelay $0x3  }
0x33: {  	p0 =	seq.s32 s10, $0x1;
	s10 =	sld [smem:$0x3FB3];
	_ =	sdelay $0x3  }
0x34: {  	[smem:$0x3FB3] =	sst s10  }
0x35: {  	s10 =	sld [smem:$0x3FB2];
	_ =	sdelay $0x3  }
0x36: {  	p1 =	seq.s32 s10, $0x1;
	s10 =	sld [smem:$0x3FB3];
	_ =	sdelay $0x3  }
0x37: {  	[smem:$0x3FB3] =	sst s10  }
0x38: {  	s10 =	sld [smem:$0x3FB4]  }
0x39: {  	_ = 	snop;
	(pc) =	sbr.ind lr, $3  }
0x3a: {  	_ = 	snop  }
0x3b: {  	_ = 	snop  }
0x3c: {  	p2 =	seq.s32 s10, $0x1;
	s10 =	sld [smem:$0x3FB3]  }
0x3d: {  	_ =	shalt  }
0x3e: {  	_ =	shalt  }
0x3f: {  	_ =	shalt  }
0x40: {  	_ =	shalt  }
0x41: {  	_ =	shalt  }
0x42: {  	_ =	shalt  }
0x43: {  	_ =	shalt  }
0x44: {  	_ =	shalt  }
0x45: {  	_ =	shalt  }
0x46: {  	_ =	shalt  }
0x47: {  	_ =	shalt  }
0x48: {  	_ =	shalt  }
0x49: {  	_ =	shalt  }
0x4a: {  	_ =	shalt  }
0x4b: {  	_ =	shalt  }
0x4c: {  	_ =	shalt  }
0x4d: {  	_ =	shalt  }
0x4e: {  	_ =	shalt  }
0x4f: {  	_ =	shalt  }
0x50: {  	_ =	shalt  }
0x51: {  	_ =	shalt  }
0x52: {  	_ =	shalt  }
0x53: {  	_ =	shalt  }
0x54: {  	_ =	shalt  }
0x55: {  	_ =	shalt  }
0x56: {  	_ =	shalt  }
0x57: {  	_ =	shalt  }
0x58: {  	_ =	shalt  }
0x59: {  	_ =	shalt  }
0x5a: {  	_ =	shalt  }
0x5b: {  	_ =	shalt  }
0x5c: {  	_ =	shalt  }
0x5d: {  	_ =	shalt  }
0x5e: {  	_ =	shalt  }
0x5f: {  	_ =	shalt  }
0x60: {  	_ =	shalt  }
0x61: {  	_ =	shalt  }
0x62: {  	_ =	shalt  }
0x63: {  	_ =	shalt  }
0x64: {  	_ =	shalt  }
0x65: {  	_ =	shalt  }
0x66: {  	_ =	shalt  }
0x67: {  	_ =	shalt  }
0x68: {  	_ =	shalt  }
0x69: {  	_ =	shalt  }
0x6a: {  	_ =	shalt  }
0x6b: {  	_ =	shalt  }
0x6c: {  	_ =	shalt  }
0x6d: {  	_ =	shalt  }
0x6e: {  	_ =	shalt  }
0x6f: {  	_ =	shalt  }
0x70: {  	_ =	shalt  }
0x71: {  	_ =	shalt  }
0x72: {  	_ =	shalt  }
0x73: {  	_ =	shalt  }
0x74: {  	_ =	shalt  }
0x75: {  	_ =	shalt  }
0x76: {  	_ =	shalt  }
0x77: {  	_ =	shalt  }
0x78: {  	_ =	shalt  }
0x79: {  	_ =	shalt  }
0x7a: {  	_ =	shalt  }
0x7b: {  	_ =	shalt  }
0x7c: {  	_ =	shalt  }
0x7d: {  	_ =	shalt  }
0x7e: {  	_ =	shalt  }
0x7f: {  	_ =	shalt  }
0x80: {  	_ =	shalt  }
0x81: {  	_ =	shalt  }
0x82: {  	_ =	shalt  }
0x83: {  	_ =	shalt  }
0x84: {  	_ =	shalt  }
0x85: {  	_ =	shalt  }
0x86: {  	_ =	shalt  }
0x87: {  	_ =	shalt  }
.Lfunc_end0:
.L_simem_size_0:
called_computation_lowered:
.L_overlay_start_0:
0x88: {  	s2 =	sld [smem:$0x3FD9]  }
0x89: {  	s3 =	sld [smem:$0x3FFE];
	_ =	sdelay $0x1  }
0x8a: {  	s1 =	srdreg.scid  }
0x8b: {  	s0 =	sand.u32 $0x1, s1  }
0x8c: {  	s17 =	sshll.u32 s0, $0xA;
	s2 =	sadd.s32 s3, s2  }
0x8d: {  	s2 =	sadd.s32 s2, s17  }
0x8e: {  	[smem:$0x3FBF] =	sst s2  }
0x8f: {  	_ = 	snop  }
0x90: {  	s2 =	sld [smem:$0x3FD0];
	(tm) =	ssettm $0x1  }
0x91: {  	s18 =	sld [smem:$0x3FFB];
	_ =	sdelay $0x3  }
0x92: {  	_ =	strace s18  }
0x93: {  	s3 =	sld [smem:$0x3FFC];
	_ =	sdelay $0x3  }
0x94: {  	_ =	strace s3  }
0x95: {  	s3 =	sld [smem:$0x3FFD];
	_ =	sdelay $0x3  }
0x96: {  	_ =	strace s3  }
0x97: {  	_ =	strace $0x8FFFFFFF  }
0x98: {  	s19 =	sld [smem:$0x3FDB];
	_ =	sdelay $0x1  }
0x99: {  	s4 =	simm.s32 $_scs_section_size  }
0x9a: {  	s5 =	simm.s32 $_size__tile_overlayer_lowered;
	s6 =	simm.s32 $_tile_overlayer_lowered  }
0x9b: {  	s22 =	simm.s32 $0x1BFF;
	s21 =	sshll.u32 s6, $0x1;
	s3 =	sadd.s32 s4, s19  }
0x9c: {  	s7 =	simm.s32 $0x0;
	s20 =	sshll.u32 s5, $0x1;
	s5 =	sadd.s32 s21, s3  }
0x9d: {  	[timem:s7], [sflag:s22] =	dma.local [hbm:s5], s20  }
0x9e: {  	_ =	swait.ge [sflag:s22], s20  }
0x9f: {  	s4 =	ssub.s32 $0x0, s20;
	[sflag:s22] =	ssyncset.done $0x0  }
0xa0: {  	[sflag:s22] =	ssyncadd.s32 s4;
	_ =	sdelay $0x1  }
0xa1: {  	s23 =	simm.s32 $0x1B8B  }
0xa2: {  	_ =	swait.ge [sflag:s23], $0x1  }
0xa3: {  	[sflag:s23] =	ssyncset.done $0x0  }
0xa4: {  	s25 =	simm.s32 $0x1B8E;
	s24 =	sld [smem:$0x3FFE];
	[sflag:s23] =	ssyncadd.s32 $0xFFFFFFFF  }
0xa5: {  	s26 =	simm.s32 $execute0_lowered;
	[smem:$0x3FD2] =	sst s25  }
0xa6: {  	s5 =	sshll.u32 s26, $0x1;
	_ =	strace $0x80000046;
	[dreg:$0x1] =	wrdreg $0xFFFFFFFF  }
0xa7: {  	s28 =	simm.s32 $_size_execute0_lowered;
	s3 =	sadd.s32 s3, s5;
	[dreg:$0x0] =	wrdreg $0x0  }
0xa8: {  	s5 =	sshll.u32 s28, $0x1;
	[dreg:$0x2] =	wrdreg s3  }
0xa9: {  	[dreg:$0x3] =	wrdreg s5  }
0xaa: {  	[dreg:$0x4] =	wrdreg $0xC0  }
0xab: {  	_ =	task [dreg:s7], $0x5FFFF  }
0xac: {  	[dreg:$0x1] =	wrdreg $0xFFFFFFFF  }
0xad: {  	[dreg:$0x0] =	wrdreg $0x60  }
0xae: {  	[dreg:$0x2] =	wrdreg s2  }
0xaf: {  	[dreg:$0x3] =	wrdreg s24  }
0xb0: {  	[dreg:$0x4] =	wrdreg $0x28000  }
0xb1: {  	[dreg:$0x5] =	wrdreg $0x9  }
0xb2: {  	_ =	task.clear_ibuf [dreg:s7], $0x6FFFF;
	_ =	strace $0x90000046  }
0xb3: {  	s29 =	simm.s32 $0x9;
	_ =	strace $0x80000048  }
0xb4: {  	_ =	swait.ge [sflag:s29], $0x1  }
0xb5: {  	[sflag:s29] =	ssyncadd.s32 $0xFFFFFFFF  }
0xb6: {  	_ =	strace $0x90000048  }
0xb7: {  	_ =	sfence  }
0xb8: {  	s30 =	sld [smem:$0x0];
	_ =	sdelay $0x2  }
0xb9: {  	s31 =	sshll.u32 s1, $0xD;
	s1 =	sshrl.u32 s1, $0x2  }
0xba: {  	s3 =	sand.u32 $0x4000, s31;
	s1 =	sadd.s32 s1, s30  }
0xbb: {  	s0 =	sor.u32 s3, s0;
	s1 =	sshll.u32 s1, $0x11  }
0xbc: {  	s0 =	sor.u32 s1, s0  }
0xbd: {  	s0 =	sadd.s32 $0x8F2B, s0  }
0xbe: {  	[sflag:s0] =	ssyncadd.remote.s32 $0x1  }
0xbf: {  	_ =	sfence.sel $0xFFFF  }
0xc0: {  	[dreg:$0x0] =	wrdreg $0xFFFFFFFF;
	(pc) =	sbr.abs _section_cstart, $3  }
0xc1: {  	[dreg:$0x1] =	wrdreg $0xFFFFFFFF  }
0xc2: {  	_ =	task.clear_ibuf [dreg:s7], $0x2FFFF;
	_ =	strace $0x9FFFFFFF  }
0xc3: {  	(tm) =	ssettm $0x7FFFFFFF  }
tec
execute0_lowered:
.L_overlay_start_1:
0x0: {  	(tag) =	ssettag $0x1  }
0x1: {  	s0 =	srdreg.scid;
	s1 =	rddreg [dreg:$0x0]  }
0x2: {  	s21 =	stileid.u32;
	s6 =	rddreg [dreg:$0x1];
	s4 =	simm.s32 $0x0  }
0x3: {  	s19 =	simm.s32 $0x16800;
	s28 =	simm.s32 $0x2700;
	s29 =	simm.s32 $0x2780  }
0x4: {  	s30 =	simm.s32 $0x0;
	s2 =	sand.u32 $0x1, s0;
	s9 =	smul.u32 $0x14000, s21  }
0x5: {  	[smem:$0x7FF] =	sst s4;
	s10 =	sshll.u32 s21, $0x7;
	s23 =	smul.u32 $0x50000, s21  }
0x6: {  	s31 =	sshll.u32 s21, $0x6;
	s3 =	sshll.u32 s2, $0x4;
	s8 =	smul.u32 $0x140000, s2  }
0x7: {  	s10 =	sand.u32 $0x380, s10;
	s2 =	ssub.s32 $0x2, s2;
	s13 =	sor.u32 $0x1C03, s31  }
0x8: {  	s5 =	sor.u32 s21, s3;
	s3 =	rddreg [dreg:$0x2];
	_ =	strace $0x80000047  }
0x9: {  	s25 =	sshrl.u32 s2, $0x1;
	s26 =	sshrl.u32 s23, $0x2;
	s21 =	simm.s32 $0x400  }
0xa: {  	s23 =	simm.s32 $0x1A680;
	s7 =	smul.u32 $0x280, s5;
	s5 =	sshrl.u32 s5, $0x3  }
0xb: {  	s8 =	sadd.s32 s9, s8;
	s2 =	ssub.s32 s2, s25;
	s14 =	sadd.s32 s26, s3  }
0xc: {  	s25 =	simm.s32 $0x2;
	s26 =	simm.s32 $0x1380;
	s22 =	smul.u32 $0x14000, s5  }
0xd: {  	s5 =	sadd.s32 $0x38400, s6;
	s8 =	sshrl.u32 s8, $0x3;
	s15 =	sadd.s32 $0x4000, s14  }
0xe: {  	s16 =	sadd.s32 $0x8000, s14;
	s17 =	sadd.s32 $0xC000, s14;
	s18 =	sadd.s32 $0x10000, s14  }
0xf: {  	s14 =	sshrl.u32 s14, $0x3;
	s7 =	sadd.s32 s7, s6;
	s11 =	sadd.s32 s8, s6  }
0x10: {  	s15 =	sshrl.u32 s15, $0x3;
	s16 =	sshrl.u32 s16, $0x3;
	s17 =	sshrl.u32 s17, $0x3  }
0x11: {  	s18 =	sshrl.u32 s18, $0x3;
	s9 =	sor.u32 s10, s22;
	s10 =	smax.u32 s2, $0x1  }
0x12: {  	s22 =	simm.s32 $0x7D;
	s24 =	sshrl.u32 s9, $0x3;
	s9 =	sadd.s32 $0x42C00, s11  }
0x13: {  	v0 =	vimm.f32 $0.0e+00;
	s11 =	simm.s32 $0x3;
	s8 =	sadd.s32 s24, s6;
	s6 =	sadd.s32 $0x7200, s7  }
0x14: {  	v1 =	vimm.f32 $1.000000000e+00;
	vm0 =	vmmov $0x7;
	vm1 =	vcmask $0x3F0C;
	s7 =	sadd.s32 $0xC200, s7;
	s24 =	simm.s32 $0x1;
	s8 =	sadd.s32 $0x38C00, s8  }
.LBB2_1:
0x15: {  	[tilespmem:s4], [sflag:$0x3] =	stream.linear.gather [hbm4b:s6+s4], $0x1400, $0x38;
	[tilespmem:$0x1E500] =	vst v63  }
0x16: {  	_ =	swait.ge [sflag:s11], $0x1400  }
0x17: {  	[sflag:s11] =	ssyncset.done $0x0  }
0x18: {  	s0 =	simm.s32 $0x1400;
	[sflag:s11] =	ssyncadd.s32 $0xFFFFEC00  }
0x19: {  	[tilespmem:s0], [sflag:$0x3] =	stream.linear.gather [hbm4b:s7+s4], $0x1400, $0x38;
	[tilespmem:$0x1E500] =	vst v63  }
0x1a: {  	_ =	swait.ge [sflag:s11], $0x1400  }
0x1b: {  	[sflag:s11] =	ssyncset.done $0x0  }
0x1c: {  	[sflag:s11] =	ssyncadd.s32 $0xFFFFEC00  }
0x1d: {  	[spmem:s14], [sflag:s13] =	dma.local [hbm:s5], $0x800  }
0x1e: {  	_ =	swait.ge [sflag:s11], $0x800  }
0x1f: {  	[sflag:s11] =	ssyncset.done $0x0  }
0x20: {  	[sflag:s11] =	ssyncadd.s32 $0xFFFFF800  }
0x21: {  	[spmem:s15], [sflag:s13] =	dma.local [hbm:s5], $0x800  }
0x22: {  	_ =	swait.ge [sflag:s11], $0x800  }
0x23: {  	[sflag:s11] =	ssyncset.done $0x0  }
0x24: {  	[sflag:s11] =	ssyncadd.s32 $0xFFFFF800  }
0x25: {  	[spmem:s16], [sflag:s13] =	dma.local [hbm:s5], $0x800  }
0x26: {  	_ =	swait.ge [sflag:s11], $0x800  }
0x27: {  	[sflag:s11] =	ssyncset.done $0x0  }
0x28: {  	[sflag:s11] =	ssyncadd.s32 $0xFFFFF800  }
0x29: {  	[spmem:s17], [sflag:s13] =	dma.local [hbm:s5], $0x800  }
0x2a: {  	_ =	swait.ge [sflag:s11], $0x800  }
0x2b: {  	[sflag:s11] =	ssyncset.done $0x0  }
0x2c: {  	[sflag:s11] =	ssyncadd.s32 $0xFFFFF800  }
0x2d: {  	[spmem:s18], [sflag:s13] =	dma.local [hbm:s5], $0x800  }
0x2e: {  	_ =	swait.ge [sflag:s11], $0x800  }
0x2f: {  	[sflag:s11] =	ssyncset.done $0x0  }
0x30: {  	s2 =	simm.s32 $0x0;
	[sflag:s11] =	ssyncadd.s32 $0xFFFFF800  }
.LBB2_2:
0x31: {  	p0 =	sne.s32 s2, $0x9FC0  }
.Ltmp0:
0x32: {  	_ = 	snop;
	(pc) =	sbr.rel @p0 .LBB2_2-.Ltmp0, $3  }
0x33: {  	_ =	sdelay $0x1  }
0x34: {  	s31 =	sshra.s32 s2, $0x2  }
0x35: {  	s2 =	sadd.s32 $0x40, s2;
	[tilespmem:s31+$0x16800] =	vst v0  }
0x36: {  	s31 =	simm.s32 $0x0  }
.LBB2_4:
0x37: {  	s2 =	sshra.s32 s31, $0x2  }
0x38: {  	v2 =	vld [tilespmem:s2+$0x1400];
	_ =	sdelay $0x7  }
0x39: {  	[tilespmem:v2+s19+$0x0] =	vst.idx.add.f32.msk $0xffff, v1  }
0x3a: {  	v2 =	vld [tilespmem:s2+$0x1410];
	_ =	sdelay $0x7  }
0x3b: {  	[tilespmem:v2+s19+$0x0] =	vst.idx.add.f32.msk $0xffff, v1  }
0x3c: {  	v2 =	vld [tilespmem:s2+$0x1420];
	_ =	sdelay $0x7  }
0x3d: {  	[tilespmem:v2+s19+$0x0] =	vst.idx.add.f32.msk $0xffff, v1  }
0x3e: {  	v2 =	vld [tilespmem:s2+$0x1430];
	_ =	sdelay $0x7  }
0x3f: {  	[tilespmem:v2+s19+$0x0] =	vst.idx.add.f32.msk $0xffff, v1  }
0x40: {  	v2 =	vld [tilespmem:s2+$0x1440];
	_ =	sdelay $0x7  }
0x41: {  	[tilespmem:v2+s19+$0x0] =	vst.idx.add.f32.msk $0xffff, v1  }
0x42: {  	v2 =	vld [tilespmem:s2+$0x1450];
	_ =	sdelay $0x7  }
0x43: {  	[tilespmem:v2+s19+$0x0] =	vst.idx.add.f32.msk $0xffff, v1  }
0x44: {  	v2 =	vld [tilespmem:s2+$0x1460];
	_ =	sdelay $0x7  }
0x45: {  	[tilespmem:v2+s19+$0x0] =	vst.idx.add.f32.msk $0xffff, v1  }
0x46: {  	v2 =	vld [tilespmem:s2+$0x146D];
	_ =	sdelay $0x4  }
0x47: {  	p0 =	sne.s32 s31, $0x4E00;
	v2 =	vsel vm0, $0x0, v2  }
.Ltmp1:
0x48: {  	_ = 	snop;
	(pc) =	sbr.rel @p0 .LBB2_4-.Ltmp1, $2  }
0x49: {  	_ =	sdelay $0x2  }
0x4a: {  	s31 =	sadd.s32 $0x200, s31;
	[tilespmem:v2+s19+$0x0] =	vst.idx.add.f32.msk vm1, v1  }
0x4b: {  	s0 =	simm.s32 $0x80  }
0x4c: {  	[hbm4b:s8+s0] =	stream.strided.scatter [tilespmem:s19], [sflag:$0x3], $0x2800, s21, s0, $0x38;
	[tilespmem:$0x1E500] =	vst v63  }
0x4d: {  	_ =	swait.ge [sflag:s11], $0x2800  }
0x4e: {  	[sflag:s11] =	ssyncset.done $0x0  }
0x4f: {  	[sflag:s11] =	ssyncadd.s32 $0xFFFFD800  }
0x50: {  	s2 =	simm.s32 $0x0;
	[bflag:$0x0] =	sbarrier.arrive $0xFFFF  }
0x51: {  	[tilespmem:s19], [sflag:$0x1] =	stream.indirect.gather [hbm4b:s1+s22], $0x80, s2, s22, $0xb8;
	[tilespmem:$0x1E500] =	vst v63  }
0x52: {  	s20 =	simm.s32 $0x80  }
0x53: {  	[tilespmem:s23], [sflag:$0x2] =	stream.indirect.gather [hbm4b:s1+s22], $0x80, s20, s22, $0xb8;
	[tilespmem:$0x1E500] =	vst v63  }
0x54: {  	_ =	swait.ge [sflag:s24], $0x3E80  }
0x55: {  	[sflag:s24] =	ssyncset.done $0x0  }
0x56: {  	s0 =	simm.s32 $0x1400;
	[sflag:s24] =	ssyncadd.s32 $0xFFFFC180  }
0x57: {  	[spmem:s3] =	stream.indirect.scatter.add.f32 [tilespmem:s19], [sflag:$0x3], $0x80, s0, s22, $0xb8;
	[tilespmem:$0x1E500] =	vst v63  }
0x58: {  	_ =	swait.ge [sflag:s11], $0x3E80  }
0x59: {  	[sflag:s11] =	ssyncset.done $0x0  }
0x5a: {  	s12 =	simm.s32 $0x100;
	[sflag:s11] =	ssyncadd.s32 $0xFFFFC180  }
0x5b: {  	[tilespmem:s19], [sflag:$0x1] =	stream.indirect.gather [hbm4b:s1+s22], $0x80, s12, s22, $0xb8;
	[tilespmem:$0x1E500] =	vst v63  }
0x5c: {  	_ =	swait.ge [sflag:s25], $0x3E80  }
0x5d: {  	[sflag:s25] =	ssyncset.done $0x0  }
0x5e: {  	s20 =	simm.s32 $0x1480;
	[sflag:s25] =	ssyncadd.s32 $0xFFFFC180  }
0x5f: {  	[spmem:s3] =	stream.indirect.scatter.add.f32 [tilespmem:s23], [sflag:$0x3], $0x80, s20, s22, $0xb8;
	[tilespmem:$0x1E500] =	vst v63  }
0x60: {  	_ =	swait.ge [sflag:s11], $0x3E80  }
0x61: {  	s31 =	simm.s32 $0x100;
	s2 =	simm.s32 $0x800;
	[sflag:s11] =	ssyncset.done $0x0  }
.LBB2_6:
0x62: {  	s0 =	sadd.s32 $0x80, s31  }
0x63: {  	[sflag:s11] =	ssyncadd.s32 $0xFFFFC180;
	s12 =	smov.u32 s2;
	s20 =	sadd.s32 $0x400, s2  }
0x64: {  	[tilespmem:s23], [sflag:$0x2] =	stream.indirect.gather [hbm4b:s1+s22], $0x80, s0, s22, $0xb8;
	[tilespmem:$0x1E500] =	vst v63  }
0x65: {  	p0 =	sne.s32 s2, $0x4800;
	_ =	swait.ge [sflag:s24], $0x3E80  }
0x66: {  	[sflag:s24] =	ssyncset.done $0x0  }
0x67: {  	s0 =	sadd.s32 $0x1400, s31;
	[sflag:s24] =	ssyncadd.s32 $0xFFFFC180  }
0x68: {  	[spmem:s3] =	stream.indirect.scatter.add.f32 [tilespmem:s19], [sflag:$0x3], $0x80, s0, s22, $0xb8;
	[tilespmem:$0x1E500] =	vst v63  }
0x69: {  	_ =	swait.ge [sflag:s11], $0x3E80  }
0x6a: {  	[sflag:s11] =	ssyncset.done $0x0  }
0x6b: {  	s0 =	sadd.s32 $0x100, s31;
	[sflag:s11] =	ssyncadd.s32 $0xFFFFC180  }
0x6c: {  	[tilespmem:s19], [sflag:$0x1] =	stream.indirect.gather [hbm4b:s1+s22], $0x80, s0, s22, $0xb8;
	[tilespmem:$0x1E500] =	vst v63  }
0x6d: {  	_ =	swait.ge [sflag:s25], $0x3E80  }
.Ltmp2:
0x6e: {  	[sflag:s25] =	ssyncset.done $0x0;
	(pc) =	sbr.rel @p0 .LBB2_6-.Ltmp2, $4  }
0x6f: {  	s0 =	sadd.s32 $0x1480, s31;
	[sflag:s25] =	ssyncadd.s32 $0xFFFFC180  }
0x70: {  	[spmem:s3] =	stream.indirect.scatter.add.f32 [tilespmem:s23], [sflag:$0x3], $0x80, s0, s22, $0xb8;
	[tilespmem:$0x1E500] =	vst v63  }
0x71: {  	_ =	swait.ge [sflag:s11], $0x3E80  }
0x72: {  	s2 =	smov.u32 s20;
	s31 =	sshra.s32 s12, $0x2;
	[sflag:s11] =	ssyncset.done $0x0  }
0x73: {  	s0 =	sadd.s32 $0x80, s31;
	[sflag:s11] =	ssyncadd.s32 $0xFFFFC180  }
0x74: {  	[tilespmem:s23], [sflag:$0x2] =	stream.indirect.gather [hbm4b:s1+s22], $0x80, s0, s22, $0xb8;
	[tilespmem:$0x1E500] =	vst v63  }
0x75: {  	_ =	swait.ge [sflag:s24], $0x3E80  }
0x76: {  	[sflag:s24] =	ssyncset.done $0x0  }
0x77: {  	s12 =	sadd.s32 $0x1400, s31;
	[sflag:s24] =	ssyncadd.s32 $0xFFFFC180  }
0x78: {  	[spmem:s3] =	stream.indirect.scatter.add.f32 [tilespmem:s19], [sflag:$0x3], $0x80, s12, s22, $0xb8;
	[tilespmem:$0x1E500] =	vst v63  }
0x79: {  	_ =	swait.ge [sflag:s11], $0x3E80  }
0x7a: {  	[sflag:s11] =	ssyncset.done $0x0  }
0x7b: {  	s20 =	sadd.s32 $0x100, s31;
	[sflag:s11] =	ssyncadd.s32 $0xFFFFC180  }
0x7c: {  	[tilespmem:s19], [sflag:$0x1] =	stream.indirect.gather [hbm4b:s1+s22], $0x80, s20, s22, $0xb8;
	[tilespmem:$0x1E500] =	vst v63  }
0x7d: {  	_ =	swait.ge [sflag:s25], $0x3E80  }
0x7e: {  	[sflag:s25] =	ssyncset.done $0x0  }
0x7f: {  	s31 =	sadd.s32 $0x1480, s31;
	[sflag:s25] =	ssyncadd.s32 $0xFFFFC180  }
0x80: {  	[spmem:s3] =	stream.indirect.scatter.add.f32 [tilespmem:s23], [sflag:$0x3], $0x80, s31, s22, $0xb8;
	[tilespmem:$0x1E500] =	vst v63  }
0x81: {  	_ =	swait.ge [sflag:s11], $0x3E80  }
0x82: {  	[sflag:s11] =	ssyncset.done $0x0  }
0x83: {  	[sflag:s11] =	ssyncadd.s32 $0xFFFFC180  }
0x84: {  	[tilespmem:s23], [sflag:$0x2] =	stream.indirect.gather [hbm4b:s1+s22], $0x80, s26, s22, $0xb8;
	[tilespmem:$0x1E500] =	vst v63  }
0x85: {  	_ =	swait.ge [sflag:s24], $0x3E80  }
0x86: {  	[sflag:s24] =	ssyncset.done $0x0  }
0x87: {  	[sflag:s24] =	ssyncadd.s32 $0xFFFFC180  }
0x88: {  	[spmem:s3] =	stream.indirect.scatter.add.f32 [tilespmem:s19], [sflag:$0x3], $0x80, s28, s22, $0xb8;
	[tilespmem:$0x1E500] =	vst v63  }
0x89: {  	_ =	swait.ge [sflag:s11], $0x3E80  }
0x8a: {  	[sflag:s11] =	ssyncset.done $0x0  }
0x8b: {  	[sflag:s11] =	ssyncadd.s32 $0xFFFFC180  }
0x8c: {  	_ =	swait.ge [sflag:s25], $0x3E80  }
0x8d: {  	[sflag:s25] =	ssyncset.done $0x0  }
0x8e: {  	[sflag:s25] =	ssyncadd.s32 $0xFFFFC180  }
0x8f: {  	[spmem:s3] =	stream.indirect.scatter.add.f32 [tilespmem:s23], [sflag:$0x3], $0x80, s29, s22, $0xb8;
	[tilespmem:$0x1E500] =	vst v63  }
0x90: {  	_ =	swait.ge [sflag:s11], $0x3E80  }
0x91: {  	s30 =	sadd.s32 $0x1, s30;
	[sflag:s11] =	ssyncset.done $0x0  }
0x92: {  	p0 =	sne.s32 s30, s10;
	[sflag:s11] =	ssyncadd.s32 $0xFFFFC180  }
.Ltmp3:
0x93: {  	[bflag:$0x0] =	sbarrier.arrive $0xFFFF;
	(pc) =	sbr.rel @p0 .LBB2_1-.Ltmp3, $4  }
0x94: {  	[hbm:s9], [sflag:s13] =	dma.local [spmem:s14], $0x2800  }
0x95: {  	_ =	swait.ge [sflag:s11], $0x2800  }
0x96: {  	[sflag:s11] =	ssyncset.done $0x0  }
0x97: {  	[sflag:s11] =	ssyncadd.s32 $0xFFFFD800  }
0x98: {  	_ =	sfence.sel $0x180000  }
0x99: {  	[bflag:$0x0] =	sbarrier.arrive $0xFFFF  }
0x9a: {  	_ =	strace $0x90000047  }
0x9b: {  	s0 =	stileid.u32;
	[bflag:$0x2] =	sbarrier.arrive $0xFFFF  }
0x9c: {  	p0 =	sne.s32 s0, $0x0;
	s0 =	rddreg [dreg:$0x3]  }
0x9d: {  	s0 =	sadd.s32 @!p0 $0x100000, s0  }
0x9e: {  	[sflag:s0] =	ssyncadd.tile.s32 @!p0 $0x1;
	_ =	shalt  }
.Lfunc_end2:
_tile_overlayer_lowered:
.L_overlay_start_2:
0x9f: {  	(tag) =	ssettag $0x2  }
0xa0: {  	s0 =	rddreg [dreg:$0x0];
	s2 =	stileid.u32  }
0xa1: {  	s1 =	rddreg [dreg:$0x1];
	p0 =	sne.s32 s2, $0x0  }
0xa2: {  	s3 =	rddreg [dreg:$0x2];
	[bflag:$0x3] =	sbarrier.arrive $0xFFFF;
	s2 =	simm.s32 @!p0 $0x1C03  }
0xa3: {  	[timem:s3], [sflag:s2] =	dma.local @!p0 [hbm:s0], s1  }
0xa4: {  	s0 =	simm.s32 @!p0 $0x3  }
0xa5: {  	_ =	swait.ge @!p0 [sflag:s0], s1  }
0xa6: {  	s1 =	ssub.s32 @!p0 $0x0, s1;
	[sflag:s0] =	ssyncset.done @!p0 $0x0  }
0xa7: {  	[sflag:s0] =	ssyncadd.s32 @!p0 s1  }
0xa8: {  	[bflag:$0x3] =	sbarrier.arrive $0xFFFF  }
0xa9: {  	_ =	shalt  }

</sc_bundles>
